<compile_context>
chip_gen: v7x
topology: tpu7x:2x2x1
jax: 0.10.2.dev20260603
libtpu: 0.0.44.dev20260713+nightly
codegen_flags: <defaults>
</compile_context>

<pallas_src>
import functools

import jax
import jax.numpy as jnp
from jax import lax
from jax.experimental import pallas as pl
from jax.experimental.pallas import tpu as pltpu
from jax.experimental.pallas import tpu_sc as plsc

_LANES = 16
_SUBCORES = 16
_CORES = 2
_BATCH = 128
_CHUNK = 8
_FEAT = 128
_ROWS_TC = 1000



def _mm_bias_body(x_ref, w_ref, b_ref, o_ref):
    o_ref[0] = (
        jnp.dot(x_ref[...], w_ref[0], preferred_element_type=jnp.float32)
        + b_ref[0, 0][None, :]
    )


def _mm_bias(x, w, b):
    n, k = x.shape
    m = w.shape[1]
    p = m // _FEAT
    return pl.pallas_call(
        _mm_bias_body,
        grid=(p, n // _ROWS_TC),
        in_specs=[
            pl.BlockSpec((_ROWS_TC, k), lambda j, i: (i, 0)),
            pl.BlockSpec((1, k, _FEAT), lambda j, i: (j, 0, 0)),
            pl.BlockSpec((1, 1, _FEAT), lambda j, i: (j, 0, 0)),
        ],
        out_specs=pl.BlockSpec((1, _ROWS_TC, _FEAT), lambda j, i: (j, i, 0)),
        out_shape=jax.ShapeDtypeStruct((p, n, _FEAT), jnp.float32),
    )(x, w.reshape(k, p, _FEAT).transpose(1, 0, 2), b.reshape(p, 1, _FEAT))


def _mm_enc_body(e_ref, x_ref, w_ref, b_ref, o_ref):
    acc = jnp.dot(x_ref[...], w_ref[0, 256:384],
                  preferred_element_type=jnp.float32)
    for u in range(2):
        acc += jnp.dot(e_ref[0, u] + e_ref[1, u],
                       w_ref[0, _FEAT * u:_FEAT * (u + 1)],
                       preferred_element_type=jnp.float32)
    o_ref[0] = acc + b_ref[0, 0][None, :]


def _mm_enc(enc_part, xq, wma, b):
    n = xq.shape[0]
    k = wma.shape[0]
    p = wma.shape[1] // _FEAT
    return pl.pallas_call(
        _mm_enc_body,
        grid=(p, n // _ROWS_TC),
        in_specs=[
            pl.BlockSpec((2, 2, _ROWS_TC, _FEAT), lambda j, i: (0, 0, i, 0)),
            pl.BlockSpec((_ROWS_TC, 128), lambda j, i: (i, 0)),
            pl.BlockSpec((1, k, _FEAT), lambda j, i: (j, 0, 0)),
            pl.BlockSpec((1, 1, _FEAT), lambda j, i: (j, 0, 0)),
        ],
        out_specs=pl.BlockSpec((1, _ROWS_TC, _FEAT), lambda j, i: (j, i, 0)),
        out_shape=jax.ShapeDtypeStruct((p, n, _FEAT), jnp.float32),
    )(enc_part, xq, wma.reshape(k, p, _FEAT).transpose(1, 0, 2),
      b.reshape(p, 1, _FEAT))


def _dec_body(m_ref, w_ref, b_ref, o_ref):
    acc = b_ref[0][None, :] + jnp.dot(
        m_ref[0, 0] + m_ref[1, 0], w_ref[0:_FEAT],
        preferred_element_type=jnp.float32)
    acc += jnp.dot(m_ref[0, 1] + m_ref[1, 1], w_ref[_FEAT:2 * _FEAT],
                   preferred_element_type=jnp.float32)
    o_ref[...] = acc


def _dec(mrg_part, w_dec, b1):
    n = mrg_part.shape[2]
    return pl.pallas_call(
        _dec_body,
        grid=(n // _ROWS_TC,),
        in_specs=[
            pl.BlockSpec((2, 2, _ROWS_TC, _FEAT), lambda i: (0, 0, i, 0)),
            pl.BlockSpec((256, 128), lambda i: (0, 0)),
            pl.BlockSpec((1, 128), lambda i: (0, 0)),
        ],
        out_specs=pl.BlockSpec((_ROWS_TC, 128), lambda i: (i, 0)),
        out_shape=jax.ShapeDtypeStruct((n, 128), jnp.float32),
    )(mrg_part, w_dec, b1)



def _edge_merge(tp0, tp1, tn0, tn1, gi2d, si2d, zrows, n_rows, e_pad):
    n_workers = _CORES * _SUBCORES
    tile_e = e_pad // n_workers
    nbt = tile_e // _BATCH
    n_chunks = nbt // _CHUNK
    rpt = n_rows // _SUBCORES
    acc_rows = n_rows + 8

    mesh = plsc.VectorSubcoreMesh(core_axis_name="c", subcore_axis_name="s")

    @functools.partial(
        pl.kernel,
        out_type=jax.ShapeDtypeStruct((4 * n_rows, _FEAT), jnp.float32),
        mesh=mesh,
        scratch_types=[
            pltpu.VMEM_SHARED((acc_rows, _FEAT), jnp.float32),
            pltpu.VMEM((_BATCH,), jnp.int32),
            pltpu.VMEM((_BATCH,), jnp.int32),
            pltpu.VMEM((_BATCH, _FEAT), jnp.float32),
            pltpu.VMEM((_BATCH, _FEAT), jnp.float32),
            pltpu.SemaphoreType.DMA,
            pltpu.SemaphoreType.DMA,
        ],
    )
    def body(tp0_h, tp1_h, tn0_h, tn1_h, gi_h, si_h, z_h, out_h,
             acc, giv, siv, pbuf, qbuf, psem, qsem):
        c = lax.axis_index("c")
        s = lax.axis_index("s")
        wtile = c * _SUBCORES + s
        base0 = wtile * tile_e

        def compute():
            def row(j, _):
                for u in range(_FEAT // _LANES):
                    sl = pl.ds(u * _LANES, _LANES)
                    pbuf[j, sl] = jnp.maximum(pbuf[j, sl] - qbuf[j, sl],
                                              0.0)
                return 0

            lax.fori_loop(0, _BATCH, row, 0)

        for k, (tp_h, tn_h) in enumerate(((tp0_h, tn0_h), (tp1_h, tn1_h))):
            pltpu.sync_copy(z_h.at[pl.ds(s * rpt, rpt)],
                            acc.at[pl.ds(s * rpt, rpt)])
            plsc.subcore_barrier()

            def bbody(b, _2, tp_h=tp_h, tn_h=tn_h):
                base = base0 + b * _BATCH
                pltpu.sync_copy(gi_h.at[pl.ds(base, _BATCH)], giv)
                pltpu.sync_copy(si_h.at[pl.ds(base, _BATCH)], siv)
                cp = pltpu.async_copy(tp_h.at[giv], pbuf, psem)
                cq = pltpu.async_copy(tn_h.at[siv], qbuf, qsem)
                cp.wait()
                cq.wait()
                compute()
                pltpu.sync_copy(pbuf, acc.at[siv], add=True)
                return 0

            lax.fori_loop(0, nbt, bbody, 0)
            plsc.subcore_barrier()
            out_base = (c * 2 + k) * n_rows + s * rpt
            pltpu.sync_copy(acc.at[pl.ds(s * rpt, rpt)],
                            out_h.at[pl.ds(out_base, rpt)])
            plsc.subcore_barrier()

    return body(tp0, tp1, tn0, tn1, gi2d, si2d, zrows)


def _pad_edges(idx_g, idx_s, trash):
    e = idx_g.shape[0]
    unit = _CORES * _SUBCORES * _BATCH
    e_pad = ((e + unit - 1) // unit) * unit
    pad = e_pad - e
    if pad:
        idx_g = jnp.concatenate([idx_g, jnp.zeros((pad,), jnp.int32)])
        idx_s = jnp.concatenate([idx_s, jnp.full((pad,), trash, jnp.int32)])
    return idx_g, idx_s, e_pad



def kernel(obj_x, obj_pos, agent_pos, obj_agent_edge_index, agent_edge_index,
           W_enc, b_enc, W_mrg, b_mrg, W_dec, b_dec):
    f32 = jnp.float32
    n_obj, in_dim = obj_x.shape
    n_ag = agent_pos.shape[0]
    emb = W_enc.shape[1]

    x_cat = jnp.concatenate([obj_x, obj_pos], axis=1)
    xq = jnp.concatenate(
        [jnp.zeros((n_ag, in_dim), f32), agent_pos], axis=1)
    zb = jnp.zeros((emb,), f32)
    n_pad = ((n_ag + 127) // 128) * 128
    zrows = jnp.zeros((n_pad, _FEAT), f32)

    gi1 = obj_agent_edge_index[1].astype(jnp.int32)
    si1 = obj_agent_edge_index[0].astype(jnp.int32)
    gi2 = agent_edge_index[0].astype(jnp.int32)
    si2 = agent_edge_index[1].astype(jnp.int32)
    gi1, si1, e1p = _pad_edges(gi1, si1, n_pad)
    gi2, si2, e2p = _pad_edges(gi2, si2, n_pad)

    p2 = _mm_bias(x_cat, W_enc, b_enc)
    q2 = _mm_bias(xq, W_enc, zb)

    enc_flat = _edge_merge(p2[0], p2[1], q2[0], q2[1], gi1, si1, zrows,
                           n_pad, e1p)
    enc_part = enc_flat.reshape(2, 2, n_pad, _FEAT)[:, :, :n_ag]

    wm_pos_pad = jnp.concatenate(
        [jnp.zeros((in_dim, emb), f32), W_mrg[emb:emb + 2]], axis=0)
    b2_tbl = _mm_bias(xq, wm_pos_pad, zb)
    wma = jnp.concatenate([W_mrg[:emb], wm_pos_pad], axis=0)
    a2_tbl = _mm_enc(enc_part, xq, wma, b_mrg)

    mrg_flat = _edge_merge(a2_tbl[0], a2_tbl[1], b2_tbl[0], b2_tbl[1],
                           gi2, si2, zrows, n_pad, e2p)
    mrg_part = mrg_flat.reshape(2, 2, n_pad, _FEAT)[:, :, :n_ag]

    decoded = _dec(mrg_part, W_dec, b_dec.reshape(1, 128))
    batch = jnp.arange(n_ag, dtype=jnp.int32)
    return decoded, batch

# --- scband reference (transcript-rebuilt; emitter-appended) ---
"""Pipeline reference for scband-fusion-model-22230750724550 (READ-ONLY COPY).

The authoritative reference and input builder live on the scoring server;
editing this copy changes nothing except your own understanding.
"""

import jax, jax.numpy as jnp
import numpy as np

N_AGENTS = 10000
N_OBJ = 10000
E_OBS = 320000
E_COMM = 160000
IN_DIM = 126
POS_DIM = 2
EMB = 256


def setup_inputs(seed: int = 0) -> dict:
    key = jax.random.key(seed)
    ks = jax.random.split(key, 10)
    obj_x = jax.random.normal(ks[0], (N_OBJ, IN_DIM), dtype=jnp.float32)
    obj_pos = jax.random.normal(ks[1], (N_OBJ, POS_DIM), dtype=jnp.float32)
    agent_pos = jax.random.normal(ks[2], (N_AGENTS, POS_DIM), dtype=jnp.float32)
    # row 0: agent idx (message destination), row 1: object idx (message source)
    obj_agent_edge_index = jax.random.randint(ks[3], (2, E_OBS), 0, N_OBJ, dtype=jnp.int64)
    # row 0: src agent, row 1: dst agent
    agent_edge_index = jax.random.randint(ks[4], (2, E_COMM), 0, N_AGENTS, dtype=jnp.int64)
    # Learned parameters: EncodeGNN message encoder, MergeGNN merge encoder, input decoder
    W_enc = jax.random.normal(ks[5], (IN_DIM + POS_DIM, EMB), dtype=jnp.float32) * 0.05
    b_enc = jnp.zeros((EMB,), dtype=jnp.float32)
    W_mrg = jax.random.normal(ks[6], (EMB + POS_DIM, EMB), dtype=jnp.float32) * 0.05
    b_mrg = jnp.zeros((EMB,), dtype=jnp.float32)
    W_dec = jax.random.normal(ks[7], (EMB, IN_DIM + POS_DIM), dtype=jnp.float32) * 0.05
    b_dec = jnp.zeros((IN_DIM + POS_DIM,), dtype=jnp.float32)
    return {
        "obj_x": obj_x,
        "obj_pos": obj_pos,
        "agent_pos": agent_pos,
        "obj_agent_edge_index": obj_agent_edge_index,
        "agent_edge_index": agent_edge_index,
        "W_enc": W_enc,
        "b_enc": b_enc,
        "W_mrg": W_mrg,
        "b_mrg": b_mrg,
        "W_dec": W_dec,
        "b_dec": b_dec,
    }


def reference(obj_x, obj_pos, agent_pos, obj_agent_edge_index, agent_edge_index,
              W_enc, b_enc, W_mrg, b_mrg, W_dec, b_dec):
    # ---- EncodeGNN: per observe-edge message with relative position ('rel'), ----
    # ---- then scatter-aggregate messages onto agents.                        ----
    agent_idx = obj_agent_edge_index[0, :]
    obj_idx = obj_agent_edge_index[1, :]
    rel_pos = obj_pos[obj_idx, :] - agent_pos[agent_idx, :]
    msg_in = jnp.concatenate([obj_x[obj_idx, :], rel_pos], axis=1)  # [E_OBS, IN_DIM+2]
    msg = jax.nn.relu(msg_in @ W_enc + b_enc)                        # [E_OBS, EMB]
    enc = jax.ops.segment_sum(msg, agent_idx, num_segments=N_AGENTS)  # [N_AGENTS, EMB]

    # ---- MergeGNN (gnn_nlayers=1): message passing over agent communicate edges ----
    src = agent_edge_index[0, :]
    dst = agent_edge_index[1, :]
    rel_apos = agent_pos[src, :] - agent_pos[dst, :]
    m_in = jnp.concatenate([enc[src, :], rel_apos], axis=1)          # [E_COMM, EMB+2]
    m = jax.nn.relu(m_in @ W_mrg + b_mrg)                            # [E_COMM, EMB]
    merged = jax.ops.segment_sum(m, dst, num_segments=N_AGENTS)       # [N_AGENTS, EMB]

    # ---- input decoder: map merged agent embeddings back to input space ----
    decoded = merged @ W_dec + b_dec                                 # [N_AGENTS, IN_DIM+2]
    batch = jnp.arange(N_AGENTS, dtype=jnp.int32)
    return decoded, batch

if __name__ == "__main__":
    import jax
    _d = setup_inputs()
    print(jax.jit(kernel)(*tuple(_d.values())))

</pallas_src>

<mosaic_0001>
#map = affine_map<(d0, d1) -> (0, 0)>
#map1 = affine_map<(d0, d1) -> (0)>
module attributes {stable_mosaic.version = 14 : i64} {
  func.func @body(%arg0: i32, %arg1: i32, %arg2: memref<10000x128xf32, #tpu.memory_space<hbm>>, %arg3: memref<10000x128xf32, #tpu.memory_space<hbm>>, %arg4: memref<10000x128xf32, #tpu.memory_space<hbm>>, %arg5: memref<10000x128xf32, #tpu.memory_space<hbm>>, %arg6: memref<163840xi32, #tpu.memory_space<hbm>>, %arg7: memref<163840xi32, #tpu.memory_space<hbm>>, %arg8: memref<10112x128xf32, #tpu.memory_space<hbm>>, %arg9: memref<40448x128xf32, #tpu.memory_space<hbm>>, %arg10: memref<10120x128xf32, #tpu.memory_space<vmem_shared>>, %arg11: memref<128xi32, #tpu.memory_space<vmem>>, %arg12: memref<128xi32, #tpu.memory_space<vmem>>, %arg13: memref<128x128xf32, #tpu.memory_space<vmem>>, %arg14: memref<128x128xf32, #tpu.memory_space<vmem>>, %arg15: memref<!tpu.dma_semaphore, #tpu.memory_space<semaphore_mem>>, %arg16: memref<!tpu.dma_semaphore, #tpu.memory_space<semaphore_mem>>) attributes {dimension_semantics = [#tpu.dimension_semantics<core_parallel>, #tpu.dimension_semantics<subcore_parallel>], iteration_bounds = array<i64: 2, 16>, scalar_prefetch = 0 : i64, scratch_operands = 7 : i64, tpu.core_type = #tpu.core_type<sc_vector_subcore>, window_params = [{transform_indices = #map}, {transform_indices = #map}, {transform_indices = #map}, {transform_indices = #map}, {transform_indices = #map1}, {transform_indices = #map1}, {transform_indices = #map}, {transform_indices = #map}]} {
    %mul3A = arith.constant 16 : i32
    %mul3A_0 = arith.muli %arg0, %mul3A : i32
    %add3A = arith.addi %mul3A_0, %arg1 : i32
    %mul3A_1 = arith.constant 5120 : i32
    %mul3A_2 = arith.muli %add3A, %mul3A_1 : i32
    %mul3A_3 = arith.constant 632 : i32
    %mul3A_4 = arith.muli %arg1, %mul3A_3 : i32
    %mul3A_5 = arith.constant 632 : i32
    %mul3A_6 = arith.muli %arg1, %mul3A_5 : i32
    "tpu.region"() ({
      %run_scoped3A = tpu.sem_alloc : memref<!tpu.dma_semaphore, #tpu.memory_space<semaphore_mem>>
      %dma_start3A = arith.constant 0 : i32
      %dma_start3A_51 = tpu.memref_slice %arg10[%mul3A_6, %dma_start3A] : memref<10120x128xf32, #tpu.memory_space<vmem_shared>> -> memref<632x128xf32, #tpu.memory_space<vmem_shared>>
      %dma_start3A_52 = arith.constant 0 : i32
      %dma_start3A_53 = tpu.memref_slice %arg8[%mul3A_4, %dma_start3A_52] : memref<10112x128xf32, #tpu.memory_space<hbm>> -> memref<632x128xf32, #tpu.memory_space<hbm>>
      tpu.enqueue_dma source(%dma_start3A_53 : memref<632x128xf32, #tpu.memory_space<hbm>>) target(%dma_start3A_51 : memref<632x128xf32, #tpu.memory_space<vmem_shared>>) target_semaphore(%run_scoped3A : memref<!tpu.dma_semaphore, #tpu.memory_space<semaphore_mem>>)
      %dma_wait3A = arith.constant 0 : i32
      %dma_wait3A_54 = tpu.memref_slice %arg10[%mul3A_6, %dma_wait3A] : memref<10120x128xf32, #tpu.memory_space<vmem_shared>> -> memref<632x128xf32, #tpu.memory_space<vmem_shared>>
      %dma_wait3A_55 = arith.constant 0 : i32
      %dma_wait3A_56 = tpu.memref_slice %arg8[%mul3A_4, %dma_wait3A_55] : memref<10112x128xf32, #tpu.memory_space<hbm>> -> memref<632x128xf32, #tpu.memory_space<hbm>>
      tpu.wait_dma2 semaphore(%run_scoped3A : memref<!tpu.dma_semaphore, #tpu.memory_space<semaphore_mem>>) src(%dma_wait3A_56 : memref<632x128xf32, #tpu.memory_space<hbm>>) dst(%dma_wait3A_54 : memref<632x128xf32, #tpu.memory_space<vmem_shared>>)
      tpu.yield
    }) : () -> ()
    %barrier3A = arith.constant 0 : index
    tpu.barrier barrier_id(%barrier3A)
    %scan3A = arith.constant 0 : i32
    %scan3A_7 = arith.constant 0 : i32
    %scan3A_8 = arith.constant 40 : i32
    %scan3A_9 = arith.addi %scan3A_7, %scan3A_8 : i32
    %scan3A_10 = arith.constant 1 : i32
    %scan3A_11 = scf.for %scan3A_51 = %scan3A_7 to %scan3A_9 step %scan3A_10 iter_args(%scan3A_52 = %scan3A) -> (i32)  : i32 {
      %mul3A_53 = arith.constant 128 : i32
      %mul3A_54 = arith.muli %scan3A_51, %mul3A_53 : i32
      %add3A_55 = arith.addi %mul3A_2, %mul3A_54 : i32
      "tpu.region"() ({
        %run_scoped3A = tpu.sem_alloc : memref<!tpu.dma_semaphore, #tpu.memory_space<semaphore_mem>>
        %dma_start3A_74 = tpu.memref_slice %arg6[%add3A_55] : memref<163840xi32, #tpu.memory_space<hbm>> -> memref<128xi32, #tpu.memory_space<hbm>>
        %dma_start3A_75 = tpu.memref_slice %arg6[%add3A_55] : memref<163840xi32, #tpu.memory_space<hbm>> -> memref<128xi32, #tpu.memory_space<hbm>>
        tpu.enqueue_dma source(%dma_start3A_75 : memref<128xi32, #tpu.memory_space<hbm>>) target(%arg11 : memref<128xi32, #tpu.memory_space<vmem>>) target_semaphore(%run_scoped3A : memref<!tpu.dma_semaphore, #tpu.memory_space<semaphore_mem>>)
        %dma_wait3A_76 = tpu.memref_slice %arg6[%add3A_55] : memref<163840xi32, #tpu.memory_space<hbm>> -> memref<128xi32, #tpu.memory_space<hbm>>
        %dma_wait3A_77 = tpu.memref_slice %arg6[%add3A_55] : memref<163840xi32, #tpu.memory_space<hbm>> -> memref<128xi32, #tpu.memory_space<hbm>>
        tpu.wait_dma2 semaphore(%run_scoped3A : memref<!tpu.dma_semaphore, #tpu.memory_space<semaphore_mem>>) src(%dma_wait3A_77 : memref<128xi32, #tpu.memory_space<hbm>>) dst(%arg11 : memref<128xi32, #tpu.memory_space<vmem>>)
        tpu.yield
      }) : () -> ()
      "tpu.region"() ({
        %run_scoped3A = tpu.sem_alloc : memref<!tpu.dma_semaphore, #tpu.memory_space<semaphore_mem>>
        %dma_start3A_74 = tpu.memref_slice %arg7[%add3A_55] : memref<163840xi32, #tpu.memory_space<hbm>> -> memref<128xi32, #tpu.memory_space<hbm>>
        %dma_start3A_75 = tpu.memref_slice %arg7[%add3A_55] : memref<163840xi32, #tpu.memory_space<hbm>> -> memref<128xi32, #tpu.memory_space<hbm>>
        tpu.enqueue_dma source(%dma_start3A_75 : memref<128xi32, #tpu.memory_space<hbm>>) target(%arg12 : memref<128xi32, #tpu.memory_space<vmem>>) target_semaphore(%run_scoped3A : memref<!tpu.dma_semaphore, #tpu.memory_space<semaphore_mem>>)
        %dma_wait3A_76 = tpu.memref_slice %arg7[%add3A_55] : memref<163840xi32, #tpu.memory_space<hbm>> -> memref<128xi32, #tpu.memory_space<hbm>>
        %dma_wait3A_77 = tpu.memref_slice %arg7[%add3A_55] : memref<163840xi32, #tpu.memory_space<hbm>> -> memref<128xi32, #tpu.memory_space<hbm>>
        tpu.wait_dma2 semaphore(%run_scoped3A : memref<!tpu.dma_semaphore, #tpu.memory_space<semaphore_mem>>) src(%dma_wait3A_77 : memref<128xi32, #tpu.memory_space<hbm>>) dst(%arg12 : memref<128xi32, #tpu.memory_space<vmem>>)
        tpu.yield
      }) : () -> ()
      %dma_start3A = arith.constant 0 : i32
      %dma_start3A_56 = arith.constant 0 : i32
      %dma_start3A_57 = tpu.memref_slice %arg2[%dma_start3A, %dma_start3A_56] : memref<10000x128xf32, #tpu.memory_space<hbm>> -> memref<10000x128xf32, #tpu.memory_space<hbm>>
      tpu.enqueue_indirect_dma source(%dma_start3A_57 : memref<10000x128xf32, #tpu.memory_space<hbm>>) target(%arg13 : memref<128x128xf32, #tpu.memory_space<vmem>>) offsets(%arg11 : memref<128xi32, #tpu.memory_space<vmem>>) semaphore(%arg15 : memref<!tpu.dma_semaphore, #tpu.memory_space<semaphore_mem>>)
      %dma_start3A_58 = arith.constant 0 : i32
      %dma_start3A_59 = arith.constant 0 : i32
      %dma_start3A_60 = tpu.memref_slice %arg4[%dma_start3A_58, %dma_start3A_59] : memref<10000x128xf32, #tpu.memory_space<hbm>> -> memref<10000x128xf32, #tpu.memory_space<hbm>>
      tpu.enqueue_indirect_dma source(%dma_start3A_60 : memref<10000x128xf32, #tpu.memory_space<hbm>>) target(%arg14 : memref<128x128xf32, #tpu.memory_space<vmem>>) offsets(%arg12 : memref<128xi32, #tpu.memory_space<vmem>>) semaphore(%arg16 : memref<!tpu.dma_semaphore, #tpu.memory_space<semaphore_mem>>)
      %dma_wait3A = arith.constant 0 : i32
      %dma_wait3A_61 = arith.constant 0 : i32
      %dma_wait3A_62 = tpu.memref_slice %arg2[%dma_wait3A, %dma_wait3A_61] : memref<10000x128xf32, #tpu.memory_space<hbm>> -> memref<10000x128xf32, #tpu.memory_space<hbm>>
      tpu.wait_indirect_dma semaphore(%arg15 : memref<!tpu.dma_semaphore, #tpu.memory_space<semaphore_mem>>) src(%dma_wait3A_62 : memref<10000x128xf32, #tpu.memory_space<hbm>>) dst(%arg13 : memref<128x128xf32, #tpu.memory_space<vmem>>)
      %dma_wait3A_63 = arith.constant 0 : i32
      %dma_wait3A_64 = arith.constant 0 : i32
      %dma_wait3A_65 = tpu.memref_slice %arg4[%dma_wait3A_63, %dma_wait3A_64] : memref<10000x128xf32, #tpu.memory_space<hbm>> -> memref<10000x128xf32, #tpu.memory_space<hbm>>
      tpu.wait_indirect_dma semaphore(%arg16 : memref<!tpu.dma_semaphore, #tpu.memory_space<semaphore_mem>>) src(%dma_wait3A_65 : memref<10000x128xf32, #tpu.memory_space<hbm>>) dst(%arg14 : memref<128x128xf32, #tpu.memory_space<vmem>>)
      %scan3A_66 = arith.constant 0 : i32
      %scan3A_67 = arith.constant 0 : i32
      %scan3A_68 = arith.constant 128 : i32
      %scan3A_69 = arith.addi %scan3A_67, %scan3A_68 : i32
      %scan3A_70 = arith.constant 1 : i32
      %scan3A_71 = scf.for %scan3A_74 = %scan3A_67 to %scan3A_69 step %scan3A_70 iter_args(%scan3A_75 = %scan3A_66) -> (i32)  : i32 {
        %get3A = arith.index_cast %scan3A_74 : i32 to index
        %get3A_76 = arith.constant 0 : index
        %get3A_77 = tpu.vector_load %arg13[%get3A, %get3A_76] {strides = array<i32>} : memref<128x128xf32, #tpu.memory_space<vmem>>, vector<1x16xf32>,
        %get3A_78 = vector.shape_cast %get3A_77 : vector<1x16xf32> to vector<16xf32>
        %get3A_79 = arith.index_cast %scan3A_74 : i32 to index
        %get3A_80 = arith.constant 0 : index
        %get3A_81 = tpu.vector_load %arg14[%get3A_79, %get3A_80] {strides = array<i32>} : memref<128x128xf32, #tpu.memory_space<vmem>>, vector<1x16xf32>,
        %get3A_82 = vector.shape_cast %get3A_81 : vector<1x16xf32> to vector<16xf32>
        %sub3A = arith.subf %get3A_78, %get3A_82 : vector<16xf32>
        %max3A = arith.constant 0.000000e+00 : f32
        %max3A_83 = vector.broadcast %max3A : f32 to vector<16xf32>
        %max3A_84 = arith.maximumf %sub3A, %max3A_83 : vector<16xf32>
        %swap3A = arith.index_cast %scan3A_74 : i32 to index
        %swap3A_85 = arith.constant 0 : index
        %swap3A_86 = tpu.vector_load %arg13[%swap3A, %swap3A_85] {strides = array<i32>} : memref<128x128xf32, #tpu.memory_space<vmem>>, vector<1x16xf32>,
        %swap3A_87 = vector.shape_cast %swap3A_86 : vector<1x16xf32> to vector<16xf32>
        %swap3A_88 = vector.shape_cast %max3A_84 : vector<16xf32> to vector<1x16xf32>
        tpu.vector_store %arg13[%swap3A, %swap3A_85], %swap3A_88 {strides = array<i32>} : memref<128x128xf32, #tpu.memory_space<vmem>>, vector<1x16xf32>,
        %get3A_89 = arith.index_cast %scan3A_74 : i32 to index
        %get3A_90 = arith.constant 16 : index
        %get3A_91 = tpu.vector_load %arg13[%get3A_89, %get3A_90] {strides = array<i32>} : memref<128x128xf32, #tpu.memory_space<vmem>>, vector<1x16xf32>,
        %get3A_92 = vector.shape_cast %get3A_91 : vector<1x16xf32> to vector<16xf32>
        %get3A_93 = arith.index_cast %scan3A_74 : i32 to index
        %get3A_94 = arith.constant 16 : index
        %get3A_95 = tpu.vector_load %arg14[%get3A_93, %get3A_94] {strides = array<i32>} : memref<128x128xf32, #tpu.memory_space<vmem>>, vector<1x16xf32>,
        %get3A_96 = vector.shape_cast %get3A_95 : vector<1x16xf32> to vector<16xf32>
        %sub3A_97 = arith.subf %get3A_92, %get3A_96 : vector<16xf32>
        %max3A_98 = arith.constant 0.000000e+00 : f32
        %max3A_99 = vector.broadcast %max3A_98 : f32 to vector<16xf32>
        %max3A_100 = arith.maximumf %sub3A_97, %max3A_99 : vector<16xf32>
        %swap3A_101 = arith.index_cast %scan3A_74 : i32 to index
        %swap3A_102 = arith.constant 16 : index
        %swap3A_103 = tpu.vector_load %arg13[%swap3A_101, %swap3A_102] {strides = array<i32>} : memref<128x128xf32, #tpu.memory_space<vmem>>, vector<1x16xf32>,
        %swap3A_104 = vector.shape_cast %swap3A_103 : vector<1x16xf32> to vector<16xf32>
        %swap3A_105 = vector.shape_cast %max3A_100 : vector<16xf32> to vector<1x16xf32>
        tpu.vector_store %arg13[%swap3A_101, %swap3A_102], %swap3A_105 {strides = array<i32>} : memref<128x128xf32, #tpu.memory_space<vmem>>, vector<1x16xf32>,
        %get3A_106 = arith.index_cast %scan3A_74 : i32 to index
        %get3A_107 = arith.constant 32 : index
        %get3A_108 = tpu.vector_load %arg13[%get3A_106, %get3A_107] {strides = array<i32>} : memref<128x128xf32, #tpu.memory_space<vmem>>, vector<1x16xf32>,
        %get3A_109 = vector.shape_cast %get3A_108 : vector<1x16xf32> to vector<16xf32>
        %get3A_110 = arith.index_cast %scan3A_74 : i32 to index
        %get3A_111 = arith.constant 32 : index
        %get3A_112 = tpu.vector_load %arg14[%get3A_110, %get3A_111] {strides = array<i32>} : memref<128x128xf32, #tpu.memory_space<vmem>>, vector<1x16xf32>,
        %get3A_113 = vector.shape_cast %get3A_112 : vector<1x16xf32> to vector<16xf32>
        %sub3A_114 = arith.subf %get3A_109, %get3A_113 : vector<16xf32>
        %max3A_115 = arith.constant 0.000000e+00 : f32
        %max3A_116 = vector.broadcast %max3A_115 : f32 to vector<16xf32>
        %max3A_117 = arith.maximumf %sub3A_114, %max3A_116 : vector<16xf32>
        %swap3A_118 = arith.index_cast %scan3A_74 : i32 to index
        %swap3A_119 = arith.constant 32 : index
        %swap3A_120 = tpu.vector_load %arg13[%swap3A_118, %swap3A_119] {strides = array<i32>} : memref<128x128xf32, #tpu.memory_space<vmem>>, vector<1x16xf32>,
        %swap3A_121 = vector.shape_cast %swap3A_120 : vector<1x16xf32> to vector<16xf32>
        %swap3A_122 = vector.shape_cast %max3A_117 : vector<16xf32> to vector<1x16xf32>
        tpu.vector_store %arg13[%swap3A_118, %swap3A_119], %swap3A_122 {strides = array<i32>} : memref<128x128xf32, #tpu.memory_space<vmem>>, vector<1x16xf32>,
        %get3A_123 = arith.index_cast %scan3A_74 : i32 to index
        %get3A_124 = arith.constant 48 : index
        %get3A_125 = tpu.vector_load %arg13[%get3A_123, %get3A_124] {strides = array<i32>} : memref<128x128xf32, #tpu.memory_space<vmem>>, vector<1x16xf32>,
        %get3A_126 = vector.shape_cast %get3A_125 : vector<1x16xf32> to vector<16xf32>
        %get3A_127 = arith.index_cast %scan3A_74 : i32 to index
        %get3A_128 = arith.constant 48 : index
        %get3A_129 = tpu.vector_load %arg14[%get3A_127, %get3A_128] {strides = array<i32>} : memref<128x128xf32, #tpu.memory_space<vmem>>, vector<1x16xf32>,
        %get3A_130 = vector.shape_cast %get3A_129 : vector<1x16xf32> to vector<16xf32>
        %sub3A_131 = arith.subf %get3A_126, %get3A_130 : vector<16xf32>
        %max3A_132 = arith.constant 0.000000e+00 : f32
        %max3A_133 = vector.broadcast %max3A_132 : f32 to vector<16xf32>
        %max3A_134 = arith.maximumf %sub3A_131, %max3A_133 : vector<16xf32>
        %swap3A_135 = arith.index_cast %scan3A_74 : i32 to index
        %swap3A_136 = arith.constant 48 : index
        %swap3A_137 = tpu.vector_load %arg13[%swap3A_135, %swap3A_136] {strides = array<i32>} : memref<128x128xf32, #tpu.memory_space<vmem>>, vector<1x16xf32>,
        %swap3A_138 = vector.shape_cast %swap3A_137 : vector<1x16xf32> to vector<16xf32>
        %swap3A_139 = vector.shape_cast %max3A_134 : vector<16xf32> to vector<1x16xf32>
        tpu.vector_store %arg13[%swap3A_135, %swap3A_136], %swap3A_139 {strides = array<i32>} : memref<128x128xf32, #tpu.memory_space<vmem>>, vector<1x16xf32>,
        %get3A_140 = arith.index_cast %scan3A_74 : i32 to index
        %get3A_141 = arith.constant 64 : index
        %get3A_142 = tpu.vector_load %arg13[%get3A_140, %get3A_141] {strides = array<i32>} : memref<128x128xf32, #tpu.memory_space<vmem>>, vector<1x16xf32>,
        %get3A_143 = vector.shape_cast %get3A_142 : vector<1x16xf32> to vector<16xf32>
        %get3A_144 = arith.index_cast %scan3A_74 : i32 to index
        %get3A_145 = arith.constant 64 : index
        %get3A_146 = tpu.vector_load %arg14[%get3A_144, %get3A_145] {strides = array<i32>} : memref<128x128xf32, #tpu.memory_space<vmem>>, vector<1x16xf32>,
        %get3A_147 = vector.shape_cast %get3A_146 : vector<1x16xf32> to vector<16xf32>
        %sub3A_148 = arith.subf %get3A_143, %get3A_147 : vector<16xf32>
        %max3A_149 = arith.constant 0.000000e+00 : f32
        %max3A_150 = vector.broadcast %max3A_149 : f32 to vector<16xf32>
        %max3A_151 = arith.maximumf %sub3A_148, %max3A_150 : vector<16xf32>
        %swap3A_152 = arith.index_cast %scan3A_74 : i32 to index
        %swap3A_153 = arith.constant 64 : index
        %swap3A_154 = tpu.vector_load %arg13[%swap3A_152, %swap3A_153] {strides = array<i32>} : memref<128x128xf32, #tpu.memory_space<vmem>>, vector<1x16xf32>,
        %swap3A_155 = vector.shape_cast %swap3A_154 : vector<1x16xf32> to vector<16xf32>
        %swap3A_156 = vector.shape_cast %max3A_151 : vector<16xf32> to vector<1x16xf32>
        tpu.vector_store %arg13[%swap3A_152, %swap3A_153], %swap3A_156 {strides = array<i32>} : memref<128x128xf32, #tpu.memory_space<vmem>>, vector<1x16xf32>,
        %get3A_157 = arith.index_cast %scan3A_74 : i32 to index
        %get3A_158 = arith.constant 80 : index
        %get3A_159 = tpu.vector_load %arg13[%get3A_157, %get3A_158] {strides = array<i32>} : memref<128x128xf32, #tpu.memory_space<vmem>>, vector<1x16xf32>,
        %get3A_160 = vector.shape_cast %get3A_159 : vector<1x16xf32> to vector<16xf32>
        %get3A_161 = arith.index_cast %scan3A_74 : i32 to index
        %get3A_162 = arith.constant 80 : index
        %get3A_163 = tpu.vector_load %arg14[%get3A_161, %get3A_162] {strides = array<i32>} : memref<128x128xf32, #tpu.memory_space<vmem>>, vector<1x16xf32>,
        %get3A_164 = vector.shape_cast %get3A_163 : vector<1x16xf32> to vector<16xf32>
        %sub3A_165 = arith.subf %get3A_160, %get3A_164 : vector<16xf32>
        %max3A_166 = arith.constant 0.000000e+00 : f32
        %max3A_167 = vector.broadcast %max3A_166 : f32 to vector<16xf32>
        %max3A_168 = arith.maximumf %sub3A_165, %max3A_167 : vector<16xf32>
        %swap3A_169 = arith.index_cast %scan3A_74 : i32 to index
        %swap3A_170 = arith.constant 80 : index
        %swap3A_171 = tpu.vector_load %arg13[%swap3A_169, %swap3A_170] {strides = array<i32>} : memref<128x128xf32, #tpu.memory_space<vmem>>, vector<1x16xf32>,
        %swap3A_172 = vector.shape_cast %swap3A_171 : vector<1x16xf32> to vector<16xf32>
        %swap3A_173 = vector.shape_cast %max3A_168 : vector<16xf32> to vector<1x16xf32>
        tpu.vector_store %arg13[%swap3A_169, %swap3A_170], %swap3A_173 {strides = array<i32>} : memref<128x128xf32, #tpu.memory_space<vmem>>, vector<1x16xf32>,
        %get3A_174 = arith.index_cast %scan3A_74 : i32 to index
        %get3A_175 = arith.constant 96 : index
        %get3A_176 = tpu.vector_load %arg13[%get3A_174, %get3A_175] {strides = array<i32>} : memref<128x128xf32, #tpu.memory_space<vmem>>, vector<1x16xf32>,
        %get3A_177 = vector.shape_cast %get3A_176 : vector<1x16xf32> to vector<16xf32>
        %get3A_178 = arith.index_cast %scan3A_74 : i32 to index
        %get3A_179 = arith.constant 96 : index
        %get3A_180 = tpu.vector_load %arg14[%get3A_178, %get3A_179] {strides = array<i32>} : memref<128x128xf32, #tpu.memory_space<vmem>>, vector<1x16xf32>,
        %get3A_181 = vector.shape_cast %get3A_180 : vector<1x16xf32> to vector<16xf32>
        %sub3A_182 = arith.subf %get3A_177, %get3A_181 : vector<16xf32>
        %max3A_183 = arith.constant 0.000000e+00 : f32
        %max3A_184 = vector.broadcast %max3A_183 : f32 to vector<16xf32>
        %max3A_185 = arith.maximumf %sub3A_182, %max3A_184 : vector<16xf32>
        %swap3A_186 = arith.index_cast %scan3A_74 : i32 to index
        %swap3A_187 = arith.constant 96 : index
        %swap3A_188 = tpu.vector_load %arg13[%swap3A_186, %swap3A_187] {strides = array<i32>} : memref<128x128xf32, #tpu.memory_space<vmem>>, vector<1x16xf32>,
        %swap3A_189 = vector.shape_cast %swap3A_188 : vector<1x16xf32> to vector<16xf32>
        %swap3A_190 = vector.shape_cast %max3A_185 : vector<16xf32> to vector<1x16xf32>
        tpu.vector_store %arg13[%swap3A_186, %swap3A_187], %swap3A_190 {strides = array<i32>} : memref<128x128xf32, #tpu.memory_space<vmem>>, vector<1x16xf32>,
        %get3A_191 = arith.index_cast %scan3A_74 : i32 to index
        %get3A_192 = arith.constant 112 : index
        %get3A_193 = tpu.vector_load %arg13[%get3A_191, %get3A_192] {strides = array<i32>} : memref<128x128xf32, #tpu.memory_space<vmem>>, vector<1x16xf32>,
        %get3A_194 = vector.shape_cast %get3A_193 : vector<1x16xf32> to vector<16xf32>
        %get3A_195 = arith.index_cast %scan3A_74 : i32 to index
        %get3A_196 = arith.constant 112 : index
        %get3A_197 = tpu.vector_load %arg14[%get3A_195, %get3A_196] {strides = array<i32>} : memref<128x128xf32, #tpu.memory_space<vmem>>, vector<1x16xf32>,
        %get3A_198 = vector.shape_cast %get3A_197 : vector<1x16xf32> to vector<16xf32>
        %sub3A_199 = arith.subf %get3A_194, %get3A_198 : vector<16xf32>
        %max3A_200 = arith.constant 0.000000e+00 : f32
        %max3A_201 = vector.broadcast %max3A_200 : f32 to vector<16xf32>
        %max3A_202 = arith.maximumf %sub3A_199, %max3A_201 : vector<16xf32>
        %swap3A_203 = arith.index_cast %scan3A_74 : i32 to index
        %swap3A_204 = arith.constant 112 : index
        %swap3A_205 = tpu.vector_load %arg13[%swap3A_203, %swap3A_204] {strides = array<i32>} : memref<128x128xf32, #tpu.memory_space<vmem>>, vector<1x16xf32>,
        %swap3A_206 = vector.shape_cast %swap3A_205 : vector<1x16xf32> to vector<16xf32>
        %swap3A_207 = vector.shape_cast %max3A_202 : vector<16xf32> to vector<1x16xf32>
        tpu.vector_store %arg13[%swap3A_203, %swap3A_204], %swap3A_207 {strides = array<i32>} : memref<128x128xf32, #tpu.memory_space<vmem>>, vector<1x16xf32>,
        %scan3A_208 = arith.constant 0 : i32
        scf.yield %scan3A_208 : i32
      }
      %scan3A_72 = arith.constant 128 : i32
      "tpu.region"() ({
        %run_scoped3A = tpu.sem_alloc : memref<!tpu.dma_semaphore, #tpu.memory_space<semaphore_mem>>
        %dma_start3A_74 = arith.constant 0 : i32
        %dma_start3A_75 = arith.constant 0 : i32
        %dma_start3A_76 = tpu.memref_slice %arg10[%dma_start3A_74, %dma_start3A_75] : memref<10120x128xf32, #tpu.memory_space<vmem_shared>> -> memref<10120x128xf32, #tpu.memory_space<vmem_shared>>
        tpu.enqueue_indirect_dma source(%arg13 : memref<128x128xf32, #tpu.memory_space<vmem>>) target(%dma_start3A_76 : memref<10120x128xf32, #tpu.memory_space<vmem_shared>>) offsets(%arg12 : memref<128xi32, #tpu.memory_space<vmem>>) semaphore(%run_scoped3A : memref<!tpu.dma_semaphore, #tpu.memory_space<semaphore_mem>>) {add = true}
        %dma_wait3A_77 = arith.constant 0 : i32
        %dma_wait3A_78 = arith.constant 0 : i32
        %dma_wait3A_79 = tpu.memref_slice %arg10[%dma_wait3A_77, %dma_wait3A_78] : memref<10120x128xf32, #tpu.memory_space<vmem_shared>> -> memref<10120x128xf32, #tpu.memory_space<vmem_shared>>
        tpu.wait_indirect_dma semaphore(%run_scoped3A : memref<!tpu.dma_semaphore, #tpu.memory_space<semaphore_mem>>) src(%arg13 : memref<128x128xf32, #tpu.memory_space<vmem>>) dst(%dma_wait3A_79 : memref<10120x128xf32, #tpu.memory_space<vmem_shared>>)
        tpu.yield
      }) : () -> ()
      %scan3A_73 = arith.constant 0 : i32
      scf.yield %scan3A_73 : i32
    }
    %scan3A_12 = arith.constant 40 : i32
    %barrier3A_13 = arith.constant 0 : index
    tpu.barrier barrier_id(%barrier3A_13)
    %mul3A_14 = arith.constant 2 : i32
    %mul3A_15 = arith.muli %arg0, %mul3A_14 : i32
    %add3A_16 = arith.constant 0 : i32
    %add3A_17 = arith.addi %mul3A_15, %add3A_16 : i32
    %mul3A_18 = arith.constant 10112 : i32
    %mul3A_19 = arith.muli %add3A_17, %mul3A_18 : i32
    %mul3A_20 = arith.constant 632 : i32
    %mul3A_21 = arith.muli %arg1, %mul3A_20 : i32
    %add3A_22 = arith.addi %mul3A_19, %mul3A_21 : i32
    %mul3A_23 = arith.constant 632 : i32
    %mul3A_24 = arith.muli %arg1, %mul3A_23 : i32
    "tpu.region"() ({
      %run_scoped3A = tpu.sem_alloc : memref<!tpu.dma_semaphore, #tpu.memory_space<semaphore_mem>>
      %dma_start3A = arith.constant 0 : i32
      %dma_start3A_51 = tpu.memref_slice %arg9[%add3A_22, %dma_start3A] : memref<40448x128xf32, #tpu.memory_space<hbm>> -> memref<632x128xf32, #tpu.memory_space<hbm>>
      %dma_start3A_52 = arith.constant 0 : i32
      %dma_start3A_53 = tpu.memref_slice %arg10[%mul3A_24, %dma_start3A_52] : memref<10120x128xf32, #tpu.memory_space<vmem_shared>> -> memref<632x128xf32, #tpu.memory_space<vmem_shared>>
      tpu.enqueue_dma source(%dma_start3A_53 : memref<632x128xf32, #tpu.memory_space<vmem_shared>>) target(%dma_start3A_51 : memref<632x128xf32, #tpu.memory_space<hbm>>) target_semaphore(%run_scoped3A : memref<!tpu.dma_semaphore, #tpu.memory_space<semaphore_mem>>)
      %dma_wait3A = arith.constant 0 : i32
      %dma_wait3A_54 = tpu.memref_slice %arg9[%add3A_22, %dma_wait3A] : memref<40448x128xf32, #tpu.memory_space<hbm>> -> memref<632x128xf32, #tpu.memory_space<hbm>>
      %dma_wait3A_55 = arith.constant 0 : i32
      %dma_wait3A_56 = tpu.memref_slice %arg10[%mul3A_24, %dma_wait3A_55] : memref<10120x128xf32, #tpu.memory_space<vmem_shared>> -> memref<632x128xf32, #tpu.memory_space<vmem_shared>>
      tpu.wait_dma2 semaphore(%run_scoped3A : memref<!tpu.dma_semaphore, #tpu.memory_space<semaphore_mem>>) src(%dma_wait3A_56 : memref<632x128xf32, #tpu.memory_space<vmem_shared>>) dst(%dma_wait3A_54 : memref<632x128xf32, #tpu.memory_space<hbm>>)
      tpu.yield
    }) : () -> ()
    %barrier3A_25 = arith.constant 0 : index
    tpu.barrier barrier_id(%barrier3A_25)
    %mul3A_26 = arith.constant 632 : i32
    %mul3A_27 = arith.muli %arg1, %mul3A_26 : i32
    %mul3A_28 = arith.constant 632 : i32
    %mul3A_29 = arith.muli %arg1, %mul3A_28 : i32
    "tpu.region"() ({
      %run_scoped3A = tpu.sem_alloc : memref<!tpu.dma_semaphore, #tpu.memory_space<semaphore_mem>>
      %dma_start3A = arith.constant 0 : i32
      %dma_start3A_51 = tpu.memref_slice %arg10[%mul3A_29, %dma_start3A] : memref<10120x128xf32, #tpu.memory_space<vmem_shared>> -> memref<632x128xf32, #tpu.memory_space<vmem_shared>>
      %dma_start3A_52 = arith.constant 0 : i32
      %dma_start3A_53 = tpu.memref_slice %arg8[%mul3A_27, %dma_start3A_52] : memref<10112x128xf32, #tpu.memory_space<hbm>> -> memref<632x128xf32, #tpu.memory_space<hbm>>
      tpu.enqueue_dma source(%dma_start3A_53 : memref<632x128xf32, #tpu.memory_space<hbm>>) target(%dma_start3A_51 : memref<632x128xf32, #tpu.memory_space<vmem_shared>>) target_semaphore(%run_scoped3A : memref<!tpu.dma_semaphore, #tpu.memory_space<semaphore_mem>>)
      %dma_wait3A = arith.constant 0 : i32
      %dma_wait3A_54 = tpu.memref_slice %arg10[%mul3A_29, %dma_wait3A] : memref<10120x128xf32, #tpu.memory_space<vmem_shared>> -> memref<632x128xf32, #tpu.memory_space<vmem_shared>>
      %dma_wait3A_55 = arith.constant 0 : i32
      %dma_wait3A_56 = tpu.memref_slice %arg8[%mul3A_27, %dma_wait3A_55] : memref<10112x128xf32, #tpu.memory_space<hbm>> -> memref<632x128xf32, #tpu.memory_space<hbm>>
      tpu.wait_dma2 semaphore(%run_scoped3A : memref<!tpu.dma_semaphore, #tpu.memory_space<semaphore_mem>>) src(%dma_wait3A_56 : memref<632x128xf32, #tpu.memory_space<hbm>>) dst(%dma_wait3A_54 : memref<632x128xf32, #tpu.memory_space<vmem_shared>>)
      tpu.yield
    }) : () -> ()
    %barrier3A_30 = arith.constant 0 : index
    tpu.barrier barrier_id(%barrier3A_30)
    %scan3A_31 = arith.constant 0 : i32
    %scan3A_32 = arith.constant 0 : i32
    %scan3A_33 = arith.constant 40 : i32
    %scan3A_34 = arith.addi %scan3A_32, %scan3A_33 : i32
    %scan3A_35 = arith.constant 1 : i32
    %scan3A_36 = scf.for %scan3A_51 = %scan3A_32 to %scan3A_34 step %scan3A_35 iter_args(%scan3A_52 = %scan3A_31) -> (i32)  : i32 {
      %mul3A_53 = arith.constant 128 : i32
      %mul3A_54 = arith.muli %scan3A_51, %mul3A_53 : i32
      %add3A_55 = arith.addi %mul3A_2, %mul3A_54 : i32
      "tpu.region"() ({
        %run_scoped3A = tpu.sem_alloc : memref<!tpu.dma_semaphore, #tpu.memory_space<semaphore_mem>>
        %dma_start3A_74 = tpu.memref_slice %arg6[%add3A_55] : memref<163840xi32, #tpu.memory_space<hbm>> -> memref<128xi32, #tpu.memory_space<hbm>>
        %dma_start3A_75 = tpu.memref_slice %arg6[%add3A_55] : memref<163840xi32, #tpu.memory_space<hbm>> -> memref<128xi32, #tpu.memory_space<hbm>>
        tpu.enqueue_dma source(%dma_start3A_75 : memref<128xi32, #tpu.memory_space<hbm>>) target(%arg11 : memref<128xi32, #tpu.memory_space<vmem>>) target_semaphore(%run_scoped3A : memref<!tpu.dma_semaphore, #tpu.memory_space<semaphore_mem>>)
        %dma_wait3A_76 = tpu.memref_slice %arg6[%add3A_55] : memref<163840xi32, #tpu.memory_space<hbm>> -> memref<128xi32, #tpu.memory_space<hbm>>
        %dma_wait3A_77 = tpu.memref_slice %arg6[%add3A_55] : memref<163840xi32, #tpu.memory_space<hbm>> -> memref<128xi32, #tpu.memory_space<hbm>>
        tpu.wait_dma2 semaphore(%run_scoped3A : memref<!tpu.dma_semaphore, #tpu.memory_space<semaphore_mem>>) src(%dma_wait3A_77 : memref<128xi32, #tpu.memory_space<hbm>>) dst(%arg11 : memref<128xi32, #tpu.memory_space<vmem>>)
        tpu.yield
      }) : () -> ()
      "tpu.region"() ({
        %run_scoped3A = tpu.sem_alloc : memref<!tpu.dma_semaphore, #tpu.memory_space<semaphore_mem>>
        %dma_start3A_74 = tpu.memref_slice %arg7[%add3A_55] : memref<163840xi32, #tpu.memory_space<hbm>> -> memref<128xi32, #tpu.memory_space<hbm>>
        %dma_start3A_75 = tpu.memref_slice %arg7[%add3A_55] : memref<163840xi32, #tpu.memory_space<hbm>> -> memref<128xi32, #tpu.memory_space<hbm>>
        tpu.enqueue_dma source(%dma_start3A_75 : memref<128xi32, #tpu.memory_space<hbm>>) target(%arg12 : memref<128xi32, #tpu.memory_space<vmem>>) target_semaphore(%run_scoped3A : memref<!tpu.dma_semaphore, #tpu.memory_space<semaphore_mem>>)
        %dma_wait3A_76 = tpu.memref_slice %arg7[%add3A_55] : memref<163840xi32, #tpu.memory_space<hbm>> -> memref<128xi32, #tpu.memory_space<hbm>>
        %dma_wait3A_77 = tpu.memref_slice %arg7[%add3A_55] : memref<163840xi32, #tpu.memory_space<hbm>> -> memref<128xi32, #tpu.memory_space<hbm>>
        tpu.wait_dma2 semaphore(%run_scoped3A : memref<!tpu.dma_semaphore, #tpu.memory_space<semaphore_mem>>) src(%dma_wait3A_77 : memref<128xi32, #tpu.memory_space<hbm>>) dst(%arg12 : memref<128xi32, #tpu.memory_space<vmem>>)
        tpu.yield
      }) : () -> ()
      %dma_start3A = arith.constant 0 : i32
      %dma_start3A_56 = arith.constant 0 : i32
      %dma_start3A_57 = tpu.memref_slice %arg3[%dma_start3A, %dma_start3A_56] : memref<10000x128xf32, #tpu.memory_space<hbm>> -> memref<10000x128xf32, #tpu.memory_space<hbm>>
      tpu.enqueue_indirect_dma source(%dma_start3A_57 : memref<10000x128xf32, #tpu.memory_space<hbm>>) target(%arg13 : memref<128x128xf32, #tpu.memory_space<vmem>>) offsets(%arg11 : memref<128xi32, #tpu.memory_space<vmem>>) semaphore(%arg15 : memref<!tpu.dma_semaphore, #tpu.memory_space<semaphore_mem>>)
      %dma_start3A_58 = arith.constant 0 : i32
      %dma_start3A_59 = arith.constant 0 : i32
      %dma_start3A_60 = tpu.memref_slice %arg5[%dma_start3A_58, %dma_start3A_59] : memref<10000x128xf32, #tpu.memory_space<hbm>> -> memref<10000x128xf32, #tpu.memory_space<hbm>>
      tpu.enqueue_indirect_dma source(%dma_start3A_60 : memref<10000x128xf32, #tpu.memory_space<hbm>>) target(%arg14 : memref<128x128xf32, #tpu.memory_space<vmem>>) offsets(%arg12 : memref<128xi32, #tpu.memory_space<vmem>>) semaphore(%arg16 : memref<!tpu.dma_semaphore, #tpu.memory_space<semaphore_mem>>)
      %dma_wait3A = arith.constant 0 : i32
      %dma_wait3A_61 = arith.constant 0 : i32
      %dma_wait3A_62 = tpu.memref_slice %arg3[%dma_wait3A, %dma_wait3A_61] : memref<10000x128xf32, #tpu.memory_space<hbm>> -> memref<10000x128xf32, #tpu.memory_space<hbm>>
      tpu.wait_indirect_dma semaphore(%arg15 : memref<!tpu.dma_semaphore, #tpu.memory_space<semaphore_mem>>) src(%dma_wait3A_62 : memref<10000x128xf32, #tpu.memory_space<hbm>>) dst(%arg13 : memref<128x128xf32, #tpu.memory_space<vmem>>)
      %dma_wait3A_63 = arith.constant 0 : i32
      %dma_wait3A_64 = arith.constant 0 : i32
      %dma_wait3A_65 = tpu.memref_slice %arg5[%dma_wait3A_63, %dma_wait3A_64] : memref<10000x128xf32, #tpu.memory_space<hbm>> -> memref<10000x128xf32, #tpu.memory_space<hbm>>
      tpu.wait_indirect_dma semaphore(%arg16 : memref<!tpu.dma_semaphore, #tpu.memory_space<semaphore_mem>>) src(%dma_wait3A_65 : memref<10000x128xf32, #tpu.memory_space<hbm>>) dst(%arg14 : memref<128x128xf32, #tpu.memory_space<vmem>>)
      %scan3A_66 = arith.constant 0 : i32
      %scan3A_67 = arith.constant 0 : i32
      %scan3A_68 = arith.constant 128 : i32
      %scan3A_69 = arith.addi %scan3A_67, %scan3A_68 : i32
      %scan3A_70 = arith.constant 1 : i32
      %scan3A_71 = scf.for %scan3A_74 = %scan3A_67 to %scan3A_69 step %scan3A_70 iter_args(%scan3A_75 = %scan3A_66) -> (i32)  : i32 {
        %get3A = arith.index_cast %scan3A_74 : i32 to index
        %get3A_76 = arith.constant 0 : index
        %get3A_77 = tpu.vector_load %arg13[%get3A, %get3A_76] {strides = array<i32>} : memref<128x128xf32, #tpu.memory_space<vmem>>, vector<1x16xf32>,
        %get3A_78 = vector.shape_cast %get3A_77 : vector<1x16xf32> to vector<16xf32>
        %get3A_79 = arith.index_cast %scan3A_74 : i32 to index
        %get3A_80 = arith.constant 0 : index
        %get3A_81 = tpu.vector_load %arg14[%get3A_79, %get3A_80] {strides = array<i32>} : memref<128x128xf32, #tpu.memory_space<vmem>>, vector<1x16xf32>,
        %get3A_82 = vector.shape_cast %get3A_81 : vector<1x16xf32> to vector<16xf32>
        %sub3A = arith.subf %get3A_78, %get3A_82 : vector<16xf32>
        %max3A = arith.constant 0.000000e+00 : f32
        %max3A_83 = vector.broadcast %max3A : f32 to vector<16xf32>
        %max3A_84 = arith.maximumf %sub3A, %max3A_83 : vector<16xf32>
        %swap3A = arith.index_cast %scan3A_74 : i32 to index
        %swap3A_85 = arith.constant 0 : index
        %swap3A_86 = tpu.vector_load %arg13[%swap3A, %swap3A_85] {strides = array<i32>} : memref<128x128xf32, #tpu.memory_space<vmem>>, vector<1x16xf32>,
        %swap3A_87 = vector.shape_cast %swap3A_86 : vector<1x16xf32> to vector<16xf32>
        %swap3A_88 = vector.shape_cast %max3A_84 : vector<16xf32> to vector<1x16xf32>
        tpu.vector_store %arg13[%swap3A, %swap3A_85], %swap3A_88 {strides = array<i32>} : memref<128x128xf32, #tpu.memory_space<vmem>>, vector<1x16xf32>,
        %get3A_89 = arith.index_cast %scan3A_74 : i32 to index
        %get3A_90 = arith.constant 16 : index
        %get3A_91 = tpu.vector_load %arg13[%get3A_89, %get3A_90] {strides = array<i32>} : memref<128x128xf32, #tpu.memory_space<vmem>>, vector<1x16xf32>,
        %get3A_92 = vector.shape_cast %get3A_91 : vector<1x16xf32> to vector<16xf32>
        %get3A_93 = arith.index_cast %scan3A_74 : i32 to index
        %get3A_94 = arith.constant 16 : index
        %get3A_95 = tpu.vector_load %arg14[%get3A_93, %get3A_94] {strides = array<i32>} : memref<128x128xf32, #tpu.memory_space<vmem>>, vector<1x16xf32>,
        %get3A_96 = vector.shape_cast %get3A_95 : vector<1x16xf32> to vector<16xf32>
        %sub3A_97 = arith.subf %get3A_92, %get3A_96 : vector<16xf32>
        %max3A_98 = arith.constant 0.000000e+00 : f32
        %max3A_99 = vector.broadcast %max3A_98 : f32 to vector<16xf32>
        %max3A_100 = arith.maximumf %sub3A_97, %max3A_99 : vector<16xf32>
        %swap3A_101 = arith.index_cast %scan3A_74 : i32 to index
        %swap3A_102 = arith.constant 16 : index
        %swap3A_103 = tpu.vector_load %arg13[%swap3A_101, %swap3A_102] {strides = array<i32>} : memref<128x128xf32, #tpu.memory_space<vmem>>, vector<1x16xf32>,
        %swap3A_104 = vector.shape_cast %swap3A_103 : vector<1x16xf32> to vector<16xf32>
        %swap3A_105 = vector.shape_cast %max3A_100 : vector<16xf32> to vector<1x16xf32>
        tpu.vector_store %arg13[%swap3A_101, %swap3A_102], %swap3A_105 {strides = array<i32>} : memref<128x128xf32, #tpu.memory_space<vmem>>, vector<1x16xf32>,
        %get3A_106 = arith.index_cast %scan3A_74 : i32 to index
        %get3A_107 = arith.constant 32 : index
        %get3A_108 = tpu.vector_load %arg13[%get3A_106, %get3A_107] {strides = array<i32>} : memref<128x128xf32, #tpu.memory_space<vmem>>, vector<1x16xf32>,
        %get3A_109 = vector.shape_cast %get3A_108 : vector<1x16xf32> to vector<16xf32>
        %get3A_110 = arith.index_cast %scan3A_74 : i32 to index
        %get3A_111 = arith.constant 32 : index
        %get3A_112 = tpu.vector_load %arg14[%get3A_110, %get3A_111] {strides = array<i32>} : memref<128x128xf32, #tpu.memory_space<vmem>>, vector<1x16xf32>,
        %get3A_113 = vector.shape_cast %get3A_112 : vector<1x16xf32> to vector<16xf32>
        %sub3A_114 = arith.subf %get3A_109, %get3A_113 : vector<16xf32>
        %max3A_115 = arith.constant 0.000000e+00 : f32
        %max3A_116 = vector.broadcast %max3A_115 : f32 to vector<16xf32>
        %max3A_117 = arith.maximumf %sub3A_114, %max3A_116 : vector<16xf32>
        %swap3A_118 = arith.index_cast %scan3A_74 : i32 to index
        %swap3A_119 = arith.constant 32 : index
        %swap3A_120 = tpu.vector_load %arg13[%swap3A_118, %swap3A_119] {strides = array<i32>} : memref<128x128xf32, #tpu.memory_space<vmem>>, vector<1x16xf32>,
        %swap3A_121 = vector.shape_cast %swap3A_120 : vector<1x16xf32> to vector<16xf32>
        %swap3A_122 = vector.shape_cast %max3A_117 : vector<16xf32> to vector<1x16xf32>
        tpu.vector_store %arg13[%swap3A_118, %swap3A_119], %swap3A_122 {strides = array<i32>} : memref<128x128xf32, #tpu.memory_space<vmem>>, vector<1x16xf32>,
        %get3A_123 = arith.index_cast %scan3A_74 : i32 to index
        %get3A_124 = arith.constant 48 : index
        %get3A_125 = tpu.vector_load %arg13[%get3A_123, %get3A_124] {strides = array<i32>} : memref<128x128xf32, #tpu.memory_space<vmem>>, vector<1x16xf32>,
        %get3A_126 = vector.shape_cast %get3A_125 : vector<1x16xf32> to vector<16xf32>
        %get3A_127 = arith.index_cast %scan3A_74 : i32 to index
        %get3A_128 = arith.constant 48 : index
        %get3A_129 = tpu.vector_load %arg14[%get3A_127, %get3A_128] {strides = array<i32>} : memref<128x128xf32, #tpu.memory_space<vmem>>, vector<1x16xf32>,
        %get3A_130 = vector.shape_cast %get3A_129 : vector<1x16xf32> to vector<16xf32>
        %sub3A_131 = arith.subf %get3A_126, %get3A_130 : vector<16xf32>
        %max3A_132 = arith.constant 0.000000e+00 : f32
        %max3A_133 = vector.broadcast %max3A_132 : f32 to vector<16xf32>
        %max3A_134 = arith.maximumf %sub3A_131, %max3A_133 : vector<16xf32>
        %swap3A_135 = arith.index_cast %scan3A_74 : i32 to index
        %swap3A_136 = arith.constant 48 : index
        %swap3A_137 = tpu.vector_load %arg13[%swap3A_135, %swap3A_136] {strides = array<i32>} : memref<128x128xf32, #tpu.memory_space<vmem>>, vector<1x16xf32>,
        %swap3A_138 = vector.shape_cast %swap3A_137 : vector<1x16xf32> to vector<16xf32>
        %swap3A_139 = vector.shape_cast %max3A_134 : vector<16xf32> to vector<1x16xf32>
        tpu.vector_store %arg13[%swap3A_135, %swap3A_136], %swap3A_139 {strides = array<i32>} : memref<128x128xf32, #tpu.memory_space<vmem>>, vector<1x16xf32>,
        %get3A_140 = arith.index_cast %scan3A_74 : i32 to index
        %get3A_141 = arith.constant 64 : index
        %get3A_142 = tpu.vector_load %arg13[%get3A_140, %get3A_141] {strides = array<i32>} : memref<128x128xf32, #tpu.memory_space<vmem>>, vector<1x16xf32>,
        %get3A_143 = vector.shape_cast %get3A_142 : vector<1x16xf32> to vector<16xf32>
        %get3A_144 = arith.index_cast %scan3A_74 : i32 to index
        %get3A_145 = arith.constant 64 : index
        %get3A_146 = tpu.vector_load %arg14[%get3A_144, %get3A_145] {strides = array<i32>} : memref<128x128xf32, #tpu.memory_space<vmem>>, vector<1x16xf32>,
        %get3A_147 = vector.shape_cast %get3A_146 : vector<1x16xf32> to vector<16xf32>
        %sub3A_148 = arith.subf %get3A_143, %get3A_147 : vector<16xf32>
        %max3A_149 = arith.constant 0.000000e+00 : f32
        %max3A_150 = vector.broadcast %max3A_149 : f32 to vector<16xf32>
        %max3A_151 = arith.maximumf %sub3A_148, %max3A_150 : vector<16xf32>
        %swap3A_152 = arith.index_cast %scan3A_74 : i32 to index
        %swap3A_153 = arith.constant 64 : index
        %swap3A_154 = tpu.vector_load %arg13[%swap3A_152, %swap3A_153] {strides = array<i32>} : memref<128x128xf32, #tpu.memory_space<vmem>>, vector<1x16xf32>,
        %swap3A_155 = vector.shape_cast %swap3A_154 : vector<1x16xf32> to vector<16xf32>
        %swap3A_156 = vector.shape_cast %max3A_151 : vector<16xf32> to vector<1x16xf32>
        tpu.vector_store %arg13[%swap3A_152, %swap3A_153], %swap3A_156 {strides = array<i32>} : memref<128x128xf32, #tpu.memory_space<vmem>>, vector<1x16xf32>,
        %get3A_157 = arith.index_cast %scan3A_74 : i32 to index
        %get3A_158 = arith.constant 80 : index
        %get3A_159 = tpu.vector_load %arg13[%get3A_157, %get3A_158] {strides = array<i32>} : memref<128x128xf32, #tpu.memory_space<vmem>>, vector<1x16xf32>,
        %get3A_160 = vector.shape_cast %get3A_159 : vector<1x16xf32> to vector<16xf32>
        %get3A_161 = arith.index_cast %scan3A_74 : i32 to index
        %get3A_162 = arith.constant 80 : index
        %get3A_163 = tpu.vector_load %arg14[%get3A_161, %get3A_162] {strides = array<i32>} : memref<128x128xf32, #tpu.memory_space<vmem>>, vector<1x16xf32>,
        %get3A_164 = vector.shape_cast %get3A_163 : vector<1x16xf32> to vector<16xf32>
        %sub3A_165 = arith.subf %get3A_160, %get3A_164 : vector<16xf32>
        %max3A_166 = arith.constant 0.000000e+00 : f32
        %max3A_167 = vector.broadcast %max3A_166 : f32 to vector<16xf32>
        %max3A_168 = arith.maximumf %sub3A_165, %max3A_167 : vector<16xf32>
        %swap3A_169 = arith.index_cast %scan3A_74 : i32 to index
        %swap3A_170 = arith.constant 80 : index
        %swap3A_171 = tpu.vector_load %arg13[%swap3A_169, %swap3A_170] {strides = array<i32>} : memref<128x128xf32, #tpu.memory_space<vmem>>, vector<1x16xf32>,
        %swap3A_172 = vector.shape_cast %swap3A_171 : vector<1x16xf32> to vector<16xf32>
        %swap3A_173 = vector.shape_cast %max3A_168 : vector<16xf32> to vector<1x16xf32>
        tpu.vector_store %arg13[%swap3A_169, %swap3A_170], %swap3A_173 {strides = array<i32>} : memref<128x128xf32, #tpu.memory_space<vmem>>, vector<1x16xf32>,
        %get3A_174 = arith.index_cast %scan3A_74 : i32 to index
        %get3A_175 = arith.constant 96 : index
        %get3A_176 = tpu.vector_load %arg13[%get3A_174, %get3A_175] {strides = array<i32>} : memref<128x128xf32, #tpu.memory_space<vmem>>, vector<1x16xf32>,
        %get3A_177 = vector.shape_cast %get3A_176 : vector<1x16xf32> to vector<16xf32>
        %get3A_178 = arith.index_cast %scan3A_74 : i32 to index
        %get3A_179 = arith.constant 96 : index
        %get3A_180 = tpu.vector_load %arg14[%get3A_178, %get3A_179] {strides = array<i32>} : memref<128x128xf32, #tpu.memory_space<vmem>>, vector<1x16xf32>,
        %get3A_181 = vector.shape_cast %get3A_180 : vector<1x16xf32> to vector<16xf32>
        %sub3A_182 = arith.subf %get3A_177, %get3A_181 : vector<16xf32>
        %max3A_183 = arith.constant 0.000000e+00 : f32
        %max3A_184 = vector.broadcast %max3A_183 : f32 to vector<16xf32>
        %max3A_185 = arith.maximumf %sub3A_182, %max3A_184 : vector<16xf32>
        %swap3A_186 = arith.index_cast %scan3A_74 : i32 to index
        %swap3A_187 = arith.constant 96 : index
        %swap3A_188 = tpu.vector_load %arg13[%swap3A_186, %swap3A_187] {strides = array<i32>} : memref<128x128xf32, #tpu.memory_space<vmem>>, vector<1x16xf32>,
        %swap3A_189 = vector.shape_cast %swap3A_188 : vector<1x16xf32> to vector<16xf32>
        %swap3A_190 = vector.shape_cast %max3A_185 : vector<16xf32> to vector<1x16xf32>
        tpu.vector_store %arg13[%swap3A_186, %swap3A_187], %swap3A_190 {strides = array<i32>} : memref<128x128xf32, #tpu.memory_space<vmem>>, vector<1x16xf32>,
        %get3A_191 = arith.index_cast %scan3A_74 : i32 to index
        %get3A_192 = arith.constant 112 : index
        %get3A_193 = tpu.vector_load %arg13[%get3A_191, %get3A_192] {strides = array<i32>} : memref<128x128xf32, #tpu.memory_space<vmem>>, vector<1x16xf32>,
        %get3A_194 = vector.shape_cast %get3A_193 : vector<1x16xf32> to vector<16xf32>
        %get3A_195 = arith.index_cast %scan3A_74 : i32 to index
        %get3A_196 = arith.constant 112 : index
        %get3A_197 = tpu.vector_load %arg14[%get3A_195, %get3A_196] {strides = array<i32>} : memref<128x128xf32, #tpu.memory_space<vmem>>, vector<1x16xf32>,
        %get3A_198 = vector.shape_cast %get3A_197 : vector<1x16xf32> to vector<16xf32>
        %sub3A_199 = arith.subf %get3A_194, %get3A_198 : vector<16xf32>
        %max3A_200 = arith.constant 0.000000e+00 : f32
        %max3A_201 = vector.broadcast %max3A_200 : f32 to vector<16xf32>
        %max3A_202 = arith.maximumf %sub3A_199, %max3A_201 : vector<16xf32>
        %swap3A_203 = arith.index_cast %scan3A_74 : i32 to index
        %swap3A_204 = arith.constant 112 : index
        %swap3A_205 = tpu.vector_load %arg13[%swap3A_203, %swap3A_204] {strides = array<i32>} : memref<128x128xf32, #tpu.memory_space<vmem>>, vector<1x16xf32>,
        %swap3A_206 = vector.shape_cast %swap3A_205 : vector<1x16xf32> to vector<16xf32>
        %swap3A_207 = vector.shape_cast %max3A_202 : vector<16xf32> to vector<1x16xf32>
        tpu.vector_store %arg13[%swap3A_203, %swap3A_204], %swap3A_207 {strides = array<i32>} : memref<128x128xf32, #tpu.memory_space<vmem>>, vector<1x16xf32>,
        %scan3A_208 = arith.constant 0 : i32
        scf.yield %scan3A_208 : i32
      }
      %scan3A_72 = arith.constant 128 : i32
      "tpu.region"() ({
        %run_scoped3A = tpu.sem_alloc : memref<!tpu.dma_semaphore, #tpu.memory_space<semaphore_mem>>
        %dma_start3A_74 = arith.constant 0 : i32
        %dma_start3A_75 = arith.constant 0 : i32
        %dma_start3A_76 = tpu.memref_slice %arg10[%dma_start3A_74, %dma_start3A_75] : memref<10120x128xf32, #tpu.memory_space<vmem_shared>> -> memref<10120x128xf32, #tpu.memory_space<vmem_shared>>
        tpu.enqueue_indirect_dma source(%arg13 : memref<128x128xf32, #tpu.memory_space<vmem>>) target(%dma_start3A_76 : memref<10120x128xf32, #tpu.memory_space<vmem_shared>>) offsets(%arg12 : memref<128xi32, #tpu.memory_space<vmem>>) semaphore(%run_scoped3A : memref<!tpu.dma_semaphore, #tpu.memory_space<semaphore_mem>>) {add = true}
        %dma_wait3A_77 = arith.constant 0 : i32
        %dma_wait3A_78 = arith.constant 0 : i32
        %dma_wait3A_79 = tpu.memref_slice %arg10[%dma_wait3A_77, %dma_wait3A_78] : memref<10120x128xf32, #tpu.memory_space<vmem_shared>> -> memref<10120x128xf32, #tpu.memory_space<vmem_shared>>
        tpu.wait_indirect_dma semaphore(%run_scoped3A : memref<!tpu.dma_semaphore, #tpu.memory_space<semaphore_mem>>) src(%arg13 : memref<128x128xf32, #tpu.memory_space<vmem>>) dst(%dma_wait3A_79 : memref<10120x128xf32, #tpu.memory_space<vmem_shared>>)
        tpu.yield
      }) : () -> ()
      %scan3A_73 = arith.constant 0 : i32
      scf.yield %scan3A_73 : i32
    }
    %scan3A_37 = arith.constant 40 : i32
    %barrier3A_38 = arith.constant 0 : index
    tpu.barrier barrier_id(%barrier3A_38)
    %mul3A_39 = arith.constant 2 : i32
    %mul3A_40 = arith.muli %arg0, %mul3A_39 : i32
    %add3A_41 = arith.constant 1 : i32
    %add3A_42 = arith.addi %mul3A_40, %add3A_41 : i32
    %mul3A_43 = arith.constant 10112 : i32
    %mul3A_44 = arith.muli %add3A_42, %mul3A_43 : i32
    %mul3A_45 = arith.constant 632 : i32
    %mul3A_46 = arith.muli %arg1, %mul3A_45 : i32
    %add3A_47 = arith.addi %mul3A_44, %mul3A_46 : i32
    %mul3A_48 = arith.constant 632 : i32
    %mul3A_49 = arith.muli %arg1, %mul3A_48 : i32
    "tpu.region"() ({
      %run_scoped3A = tpu.sem_alloc : memref<!tpu.dma_semaphore, #tpu.memory_space<semaphore_mem>>
      %dma_start3A = arith.constant 0 : i32
      %dma_start3A_51 = tpu.memref_slice %arg9[%add3A_47, %dma_start3A] : memref<40448x128xf32, #tpu.memory_space<hbm>> -> memref<632x128xf32, #tpu.memory_space<hbm>>
      %dma_start3A_52 = arith.constant 0 : i32
      %dma_start3A_53 = tpu.memref_slice %arg10[%mul3A_49, %dma_start3A_52] : memref<10120x128xf32, #tpu.memory_space<vmem_shared>> -> memref<632x128xf32, #tpu.memory_space<vmem_shared>>
      tpu.enqueue_dma source(%dma_start3A_53 : memref<632x128xf32, #tpu.memory_space<vmem_shared>>) target(%dma_start3A_51 : memref<632x128xf32, #tpu.memory_space<hbm>>) target_semaphore(%run_scoped3A : memref<!tpu.dma_semaphore, #tpu.memory_space<semaphore_mem>>)
      %dma_wait3A = arith.constant 0 : i32
      %dma_wait3A_54 = tpu.memref_slice %arg9[%add3A_47, %dma_wait3A] : memref<40448x128xf32, #tpu.memory_space<hbm>> -> memref<632x128xf32, #tpu.memory_space<hbm>>
      %dma_wait3A_55 = arith.constant 0 : i32
      %dma_wait3A_56 = tpu.memref_slice %arg10[%mul3A_49, %dma_wait3A_55] : memref<10120x128xf32, #tpu.memory_space<vmem_shared>> -> memref<632x128xf32, #tpu.memory_space<vmem_shared>>
      tpu.wait_dma2 semaphore(%run_scoped3A : memref<!tpu.dma_semaphore, #tpu.memory_space<semaphore_mem>>) src(%dma_wait3A_56 : memref<632x128xf32, #tpu.memory_space<vmem_shared>>) dst(%dma_wait3A_54 : memref<632x128xf32, #tpu.memory_space<hbm>>)
      tpu.yield
    }) : () -> ()
    %barrier3A_50 = arith.constant 0 : index
    tpu.barrier barrier_id(%barrier3A_50)
    return
  }
}

#map = affine_map<(d0, d1) -> (0, 0)>
#map1 = affine_map<(d0, d1) -> (0)>
module attributes {stable_mosaic.version = 14 : i64} {
  func.func @body(%arg0: i32, %arg1: i32, %arg2: memref<10000x128xf32, #tpu.memory_space<hbm>>, %arg3: memref<10000x128xf32, #tpu.memory_space<hbm>>, %arg4: memref<10000x128xf32, #tpu.memory_space<hbm>>, %arg5: memref<10000x128xf32, #tpu.memory_space<hbm>>, %arg6: memref<323584xi32, #tpu.memory_space<hbm>>, %arg7: memref<323584xi32, #tpu.memory_space<hbm>>, %arg8: memref<10112x128xf32, #tpu.memory_space<hbm>>, %arg9: memref<40448x128xf32, #tpu.memory_space<hbm>>, %arg10: memref<10120x128xf32, #tpu.memory_space<vmem_shared>>, %arg11: memref<128xi32, #tpu.memory_space<vmem>>, %arg12: memref<128xi32, #tpu.memory_space<vmem>>, %arg13: memref<128x128xf32, #tpu.memory_space<vmem>>, %arg14: memref<128x128xf32, #tpu.memory_space<vmem>>, %arg15: memref<!tpu.dma_semaphore, #tpu.memory_space<semaphore_mem>>, %arg16: memref<!tpu.dma_semaphore, #tpu.memory_space<semaphore_mem>>) attributes {dimension_semantics = [#tpu.dimension_semantics<core_parallel>, #tpu.dimension_semantics<subcore_parallel>], iteration_bounds = array<i64: 2, 16>, scalar_prefetch = 0 : i64, scratch_operands = 7 : i64, tpu.core_type = #tpu.core_type<sc_vector_subcore>, window_params = [{transform_indices = #map}, {transform_indices = #map}, {transform_indices = #map}, {transform_indices = #map}, {transform_indices = #map1}, {transform_indices = #map1}, {transform_indices = #map}, {transform_indices = #map}]} {
    %mul3A = arith.constant 16 : i32
    %mul3A_0 = arith.muli %arg0, %mul3A : i32
    %add3A = arith.addi %mul3A_0, %arg1 : i32
    %mul3A_1 = arith.constant 10112 : i32
    %mul3A_2 = arith.muli %add3A, %mul3A_1 : i32
    %mul3A_3 = arith.constant 632 : i32
    %mul3A_4 = arith.muli %arg1, %mul3A_3 : i32
    %mul3A_5 = arith.constant 632 : i32
    %mul3A_6 = arith.muli %arg1, %mul3A_5 : i32
    "tpu.region"() ({
      %run_scoped3A = tpu.sem_alloc : memref<!tpu.dma_semaphore, #tpu.memory_space<semaphore_mem>>
      %dma_start3A = arith.constant 0 : i32
      %dma_start3A_51 = tpu.memref_slice %arg10[%mul3A_6, %dma_start3A] : memref<10120x128xf32, #tpu.memory_space<vmem_shared>> -> memref<632x128xf32, #tpu.memory_space<vmem_shared>>
      %dma_start3A_52 = arith.constant 0 : i32
      %dma_start3A_53 = tpu.memref_slice %arg8[%mul3A_4, %dma_start3A_52] : memref<10112x128xf32, #tpu.memory_space<hbm>> -> memref<632x128xf32, #tpu.memory_space<hbm>>
      tpu.enqueue_dma source(%dma_start3A_53 : memref<632x128xf32, #tpu.memory_space<hbm>>) target(%dma_start3A_51 : memref<632x128xf32, #tpu.memory_space<vmem_shared>>) target_semaphore(%run_scoped3A : memref<!tpu.dma_semaphore, #tpu.memory_space<semaphore_mem>>)
      %dma_wait3A = arith.constant 0 : i32
      %dma_wait3A_54 = tpu.memref_slice %arg10[%mul3A_6, %dma_wait3A] : memref<10120x128xf32, #tpu.memory_space<vmem_shared>> -> memref<632x128xf32, #tpu.memory_space<vmem_shared>>
      %dma_wait3A_55 = arith.constant 0 : i32
      %dma_wait3A_56 = tpu.memref_slice %arg8[%mul3A_4, %dma_wait3A_55] : memref<10112x128xf32, #tpu.memory_space<hbm>> -> memref<632x128xf32, #tpu.memory_space<hbm>>
      tpu.wait_dma2 semaphore(%run_scoped3A : memref<!tpu.dma_semaphore, #tpu.memory_space<semaphore_mem>>) src(%dma_wait3A_56 : memref<632x128xf32, #tpu.memory_space<hbm>>) dst(%dma_wait3A_54 : memref<632x128xf32, #tpu.memory_space<vmem_shared>>)
      tpu.yield
    }) : () -> ()
    %barrier3A = arith.constant 0 : index
    tpu.barrier barrier_id(%barrier3A)
    %scan3A = arith.constant 0 : i32
    %scan3A_7 = arith.constant 0 : i32
    %scan3A_8 = arith.constant 79 : i32
    %scan3A_9 = arith.addi %scan3A_7, %scan3A_8 : i32
    %scan3A_10 = arith.constant 1 : i32
    %scan3A_11 = scf.for %scan3A_51 = %scan3A_7 to %scan3A_9 step %scan3A_10 iter_args(%scan3A_52 = %scan3A) -> (i32)  : i32 {
      %mul3A_53 = arith.constant 128 : i32
      %mul3A_54 = arith.muli %scan3A_51, %mul3A_53 : i32
      %add3A_55 = arith.addi %mul3A_2, %mul3A_54 : i32
      "tpu.region"() ({
        %run_scoped3A = tpu.sem_alloc : memref<!tpu.dma_semaphore, #tpu.memory_space<semaphore_mem>>
        %dma_start3A_74 = tpu.memref_slice %arg6[%add3A_55] : memref<323584xi32, #tpu.memory_space<hbm>> -> memref<128xi32, #tpu.memory_space<hbm>>
        %dma_start3A_75 = tpu.memref_slice %arg6[%add3A_55] : memref<323584xi32, #tpu.memory_space<hbm>> -> memref<128xi32, #tpu.memory_space<hbm>>
        tpu.enqueue_dma source(%dma_start3A_75 : memref<128xi32, #tpu.memory_space<hbm>>) target(%arg11 : memref<128xi32, #tpu.memory_space<vmem>>) target_semaphore(%run_scoped3A : memref<!tpu.dma_semaphore, #tpu.memory_space<semaphore_mem>>)
        %dma_wait3A_76 = tpu.memref_slice %arg6[%add3A_55] : memref<323584xi32, #tpu.memory_space<hbm>> -> memref<128xi32, #tpu.memory_space<hbm>>
        %dma_wait3A_77 = tpu.memref_slice %arg6[%add3A_55] : memref<323584xi32, #tpu.memory_space<hbm>> -> memref<128xi32, #tpu.memory_space<hbm>>
        tpu.wait_dma2 semaphore(%run_scoped3A : memref<!tpu.dma_semaphore, #tpu.memory_space<semaphore_mem>>) src(%dma_wait3A_77 : memref<128xi32, #tpu.memory_space<hbm>>) dst(%arg11 : memref<128xi32, #tpu.memory_space<vmem>>)
        tpu.yield
      }) : () -> ()
      "tpu.region"() ({
        %run_scoped3A = tpu.sem_alloc : memref<!tpu.dma_semaphore, #tpu.memory_space<semaphore_mem>>
        %dma_start3A_74 = tpu.memref_slice %arg7[%add3A_55] : memref<323584xi32, #tpu.memory_space<hbm>> -> memref<128xi32, #tpu.memory_space<hbm>>
        %dma_start3A_75 = tpu.memref_slice %arg7[%add3A_55] : memref<323584xi32, #tpu.memory_space<hbm>> -> memref<128xi32, #tpu.memory_space<hbm>>
        tpu.enqueue_dma source(%dma_start3A_75 : memref<128xi32, #tpu.memory_space<hbm>>) target(%arg12 : memref<128xi32, #tpu.memory_space<vmem>>) target_semaphore(%run_scoped3A : memref<!tpu.dma_semaphore, #tpu.memory_space<semaphore_mem>>)
        %dma_wait3A_76 = tpu.memref_slice %arg7[%add3A_55] : memref<323584xi32, #tpu.memory_space<hbm>> -> memref<128xi32, #tpu.memory_space<hbm>>
        %dma_wait3A_77 = tpu.memref_slice %arg7[%add3A_55] : memref<323584xi32, #tpu.memory_space<hbm>> -> memref<128xi32, #tpu.memory_space<hbm>>
        tpu.wait_dma2 semaphore(%run_scoped3A : memref<!tpu.dma_semaphore, #tpu.memory_space<semaphore_mem>>) src(%dma_wait3A_77 : memref<128xi32, #tpu.memory_space<hbm>>) dst(%arg12 : memref<128xi32, #tpu.memory_space<vmem>>)
        tpu.yield
      }) : () -> ()
      %dma_start3A = arith.constant 0 : i32
      %dma_start3A_56 = arith.constant 0 : i32
      %dma_start3A_57 = tpu.memref_slice %arg2[%dma_start3A, %dma_start3A_56] : memref<10000x128xf32, #tpu.memory_space<hbm>> -> memref<10000x128xf32, #tpu.memory_space<hbm>>
      tpu.enqueue_indirect_dma source(%dma_start3A_57 : memref<10000x128xf32, #tpu.memory_space<hbm>>) target(%arg13 : memref<128x128xf32, #tpu.memory_space<vmem>>) offsets(%arg11 : memref<128xi32, #tpu.memory_space<vmem>>) semaphore(%arg15 : memref<!tpu.dma_semaphore, #tpu.memory_space<semaphore_mem>>)
      %dma_start3A_58 = arith.constant 0 : i32
      %dma_start3A_59 = arith.constant 0 : i32
      %dma_start3A_60 = tpu.memref_slice %arg4[%dma_start3A_58, %dma_start3A_59] : memref<10000x128xf32, #tpu.memory_space<hbm>> -> memref<10000x128xf32, #tpu.memory_space<hbm>>
      tpu.enqueue_indirect_dma source(%dma_start3A_60 : memref<10000x128xf32, #tpu.memory_space<hbm>>) target(%arg14 : memref<128x128xf32, #tpu.memory_space<vmem>>) offsets(%arg12 : memref<128xi32, #tpu.memory_space<vmem>>) semaphore(%arg16 : memref<!tpu.dma_semaphore, #tpu.memory_space<semaphore_mem>>)
      %dma_wait3A = arith.constant 0 : i32
      %dma_wait3A_61 = arith.constant 0 : i32
      %dma_wait3A_62 = tpu.memref_slice %arg2[%dma_wait3A, %dma_wait3A_61] : memref<10000x128xf32, #tpu.memory_space<hbm>> -> memref<10000x128xf32, #tpu.memory_space<hbm>>
      tpu.wait_indirect_dma semaphore(%arg15 : memref<!tpu.dma_semaphore, #tpu.memory_space<semaphore_mem>>) src(%dma_wait3A_62 : memref<10000x128xf32, #tpu.memory_space<hbm>>) dst(%arg13 : memref<128x128xf32, #tpu.memory_space<vmem>>)
      %dma_wait3A_63 = arith.constant 0 : i32
      %dma_wait3A_64 = arith.constant 0 : i32
      %dma_wait3A_65 = tpu.memref_slice %arg4[%dma_wait3A_63, %dma_wait3A_64] : memref<10000x128xf32, #tpu.memory_space<hbm>> -> memref<10000x128xf32, #tpu.memory_space<hbm>>
      tpu.wait_indirect_dma semaphore(%arg16 : memref<!tpu.dma_semaphore, #tpu.memory_space<semaphore_mem>>) src(%dma_wait3A_65 : memref<10000x128xf32, #tpu.memory_space<hbm>>) dst(%arg14 : memref<128x128xf32, #tpu.memory_space<vmem>>)
      %scan3A_66 = arith.constant 0 : i32
      %scan3A_67 = arith.constant 0 : i32
      %scan3A_68 = arith.constant 128 : i32
      %scan3A_69 = arith.addi %scan3A_67, %scan3A_68 : i32
      %scan3A_70 = arith.constant 1 : i32
      %scan3A_71 = scf.for %scan3A_74 = %scan3A_67 to %scan3A_69 step %scan3A_70 iter_args(%scan3A_75 = %scan3A_66) -> (i32)  : i32 {
        %get3A = arith.index_cast %scan3A_74 : i32 to index
        %get3A_76 = arith.constant 0 : index
        %get3A_77 = tpu.vector_load %arg13[%get3A, %get3A_76] {strides = array<i32>} : memref<128x128xf32, #tpu.memory_space<vmem>>, vector<1x16xf32>,
        %get3A_78 = vector.shape_cast %get3A_77 : vector<1x16xf32> to vector<16xf32>
        %get3A_79 = arith.index_cast %scan3A_74 : i32 to index
        %get3A_80 = arith.constant 0 : index
        %get3A_81 = tpu.vector_load %arg14[%get3A_79, %get3A_80] {strides = array<i32>} : memref<128x128xf32, #tpu.memory_space<vmem>>, vector<1x16xf32>,
        %get3A_82 = vector.shape_cast %get3A_81 : vector<1x16xf32> to vector<16xf32>
        %sub3A = arith.subf %get3A_78, %get3A_82 : vector<16xf32>
        %max3A = arith.constant 0.000000e+00 : f32
        %max3A_83 = vector.broadcast %max3A : f32 to vector<16xf32>
        %max3A_84 = arith.maximumf %sub3A, %max3A_83 : vector<16xf32>
        %swap3A = arith.index_cast %scan3A_74 : i32 to index
        %swap3A_85 = arith.constant 0 : index
        %swap3A_86 = tpu.vector_load %arg13[%swap3A, %swap3A_85] {strides = array<i32>} : memref<128x128xf32, #tpu.memory_space<vmem>>, vector<1x16xf32>,
        %swap3A_87 = vector.shape_cast %swap3A_86 : vector<1x16xf32> to vector<16xf32>
        %swap3A_88 = vector.shape_cast %max3A_84 : vector<16xf32> to vector<1x16xf32>
        tpu.vector_store %arg13[%swap3A, %swap3A_85], %swap3A_88 {strides = array<i32>} : memref<128x128xf32, #tpu.memory_space<vmem>>, vector<1x16xf32>,
        %get3A_89 = arith.index_cast %scan3A_74 : i32 to index
        %get3A_90 = arith.constant 16 : index
        %get3A_91 = tpu.vector_load %arg13[%get3A_89, %get3A_90] {strides = array<i32>} : memref<128x128xf32, #tpu.memory_space<vmem>>, vector<1x16xf32>,
        %get3A_92 = vector.shape_cast %get3A_91 : vector<1x16xf32> to vector<16xf32>
        %get3A_93 = arith.index_cast %scan3A_74 : i32 to index
        %get3A_94 = arith.constant 16 : index
        %get3A_95 = tpu.vector_load %arg14[%get3A_93, %get3A_94] {strides = array<i32>} : memref<128x128xf32, #tpu.memory_space<vmem>>, vector<1x16xf32>,
        %get3A_96 = vector.shape_cast %get3A_95 : vector<1x16xf32> to vector<16xf32>
        %sub3A_97 = arith.subf %get3A_92, %get3A_96 : vector<16xf32>
        %max3A_98 = arith.constant 0.000000e+00 : f32
        %max3A_99 = vector.broadcast %max3A_98 : f32 to vector<16xf32>
        %max3A_100 = arith.maximumf %sub3A_97, %max3A_99 : vector<16xf32>
        %swap3A_101 = arith.index_cast %scan3A_74 : i32 to index
        %swap3A_102 = arith.constant 16 : index
        %swap3A_103 = tpu.vector_load %arg13[%swap3A_101, %swap3A_102] {strides = array<i32>} : memref<128x128xf32, #tpu.memory_space<vmem>>, vector<1x16xf32>,
        %swap3A_104 = vector.shape_cast %swap3A_103 : vector<1x16xf32> to vector<16xf32>
        %swap3A_105 = vector.shape_cast %max3A_100 : vector<16xf32> to vector<1x16xf32>
        tpu.vector_store %arg13[%swap3A_101, %swap3A_102], %swap3A_105 {strides = array<i32>} : memref<128x128xf32, #tpu.memory_space<vmem>>, vector<1x16xf32>,
        %get3A_106 = arith.index_cast %scan3A_74 : i32 to index
        %get3A_107 = arith.constant 32 : index
        %get3A_108 = tpu.vector_load %arg13[%get3A_106, %get3A_107] {strides = array<i32>} : memref<128x128xf32, #tpu.memory_space<vmem>>, vector<1x16xf32>,
        %get3A_109 = vector.shape_cast %get3A_108 : vector<1x16xf32> to vector<16xf32>
        %get3A_110 = arith.index_cast %scan3A_74 : i32 to index
        %get3A_111 = arith.constant 32 : index
        %get3A_112 = tpu.vector_load %arg14[%get3A_110, %get3A_111] {strides = array<i32>} : memref<128x128xf32, #tpu.memory_space<vmem>>, vector<1x16xf32>,
        %get3A_113 = vector.shape_cast %get3A_112 : vector<1x16xf32> to vector<16xf32>
        %sub3A_114 = arith.subf %get3A_109, %get3A_113 : vector<16xf32>
        %max3A_115 = arith.constant 0.000000e+00 : f32
        %max3A_116 = vector.broadcast %max3A_115 : f32 to vector<16xf32>
        %max3A_117 = arith.maximumf %sub3A_114, %max3A_116 : vector<16xf32>
        %swap3A_118 = arith.index_cast %scan3A_74 : i32 to index
        %swap3A_119 = arith.constant 32 : index
        %swap3A_120 = tpu.vector_load %arg13[%swap3A_118, %swap3A_119] {strides = array<i32>} : memref<128x128xf32, #tpu.memory_space<vmem>>, vector<1x16xf32>,
        %swap3A_121 = vector.shape_cast %swap3A_120 : vector<1x16xf32> to vector<16xf32>
        %swap3A_122 = vector.shape_cast %max3A_117 : vector<16xf32> to vector<1x16xf32>
        tpu.vector_store %arg13[%swap3A_118, %swap3A_119], %swap3A_122 {strides = array<i32>} : memref<128x128xf32, #tpu.memory_space<vmem>>, vector<1x16xf32>,
        %get3A_123 = arith.index_cast %scan3A_74 : i32 to index
        %get3A_124 = arith.constant 48 : index
        %get3A_125 = tpu.vector_load %arg13[%get3A_123, %get3A_124] {strides = array<i32>} : memref<128x128xf32, #tpu.memory_space<vmem>>, vector<1x16xf32>,
        %get3A_126 = vector.shape_cast %get3A_125 : vector<1x16xf32> to vector<16xf32>
        %get3A_127 = arith.index_cast %scan3A_74 : i32 to index
        %get3A_128 = arith.constant 48 : index
        %get3A_129 = tpu.vector_load %arg14[%get3A_127, %get3A_128] {strides = array<i32>} : memref<128x128xf32, #tpu.memory_space<vmem>>, vector<1x16xf32>,
        %get3A_130 = vector.shape_cast %get3A_129 : vector<1x16xf32> to vector<16xf32>
        %sub3A_131 = arith.subf %get3A_126, %get3A_130 : vector<16xf32>
        %max3A_132 = arith.constant 0.000000e+00 : f32
        %max3A_133 = vector.broadcast %max3A_132 : f32 to vector<16xf32>
        %max3A_134 = arith.maximumf %sub3A_131, %max3A_133 : vector<16xf32>
        %swap3A_135 = arith.index_cast %scan3A_74 : i32 to index
        %swap3A_136 = arith.constant 48 : index
        %swap3A_137 = tpu.vector_load %arg13[%swap3A_135, %swap3A_136] {strides = array<i32>} : memref<128x128xf32, #tpu.memory_space<vmem>>, vector<1x16xf32>,
        %swap3A_138 = vector.shape_cast %swap3A_137 : vector<1x16xf32> to vector<16xf32>
        %swap3A_139 = vector.shape_cast %max3A_134 : vector<16xf32> to vector<1x16xf32>
        tpu.vector_store %arg13[%swap3A_135, %swap3A_136], %swap3A_139 {strides = array<i32>} : memref<128x128xf32, #tpu.memory_space<vmem>>, vector<1x16xf32>,
        %get3A_140 = arith.index_cast %scan3A_74 : i32 to index
        %get3A_141 = arith.constant 64 : index
        %get3A_142 = tpu.vector_load %arg13[%get3A_140, %get3A_141] {strides = array<i32>} : memref<128x128xf32, #tpu.memory_space<vmem>>, vector<1x16xf32>,
        %get3A_143 = vector.shape_cast %get3A_142 : vector<1x16xf32> to vector<16xf32>
        %get3A_144 = arith.index_cast %scan3A_74 : i32 to index
        %get3A_145 = arith.constant 64 : index
        %get3A_146 = tpu.vector_load %arg14[%get3A_144, %get3A_145] {strides = array<i32>} : memref<128x128xf32, #tpu.memory_space<vmem>>, vector<1x16xf32>,
        %get3A_147 = vector.shape_cast %get3A_146 : vector<1x16xf32> to vector<16xf32>
        %sub3A_148 = arith.subf %get3A_143, %get3A_147 : vector<16xf32>
        %max3A_149 = arith.constant 0.000000e+00 : f32
        %max3A_150 = vector.broadcast %max3A_149 : f32 to vector<16xf32>
        %max3A_151 = arith.maximumf %sub3A_148, %max3A_150 : vector<16xf32>
        %swap3A_152 = arith.index_cast %scan3A_74 : i32 to index
        %swap3A_153 = arith.constant 64 : index
        %swap3A_154 = tpu.vector_load %arg13[%swap3A_152, %swap3A_153] {strides = array<i32>} : memref<128x128xf32, #tpu.memory_space<vmem>>, vector<1x16xf32>,
        %swap3A_155 = vector.shape_cast %swap3A_154 : vector<1x16xf32> to vector<16xf32>
        %swap3A_156 = vector.shape_cast %max3A_151 : vector<16xf32> to vector<1x16xf32>
        tpu.vector_store %arg13[%swap3A_152, %swap3A_153], %swap3A_156 {strides = array<i32>} : memref<128x128xf32, #tpu.memory_space<vmem>>, vector<1x16xf32>,
        %get3A_157 = arith.index_cast %scan3A_74 : i32 to index
        %get3A_158 = arith.constant 80 : index
        %get3A_159 = tpu.vector_load %arg13[%get3A_157, %get3A_158] {strides = array<i32>} : memref<128x128xf32, #tpu.memory_space<vmem>>, vector<1x16xf32>,
        %get3A_160 = vector.shape_cast %get3A_159 : vector<1x16xf32> to vector<16xf32>
        %get3A_161 = arith.index_cast %scan3A_74 : i32 to index
        %get3A_162 = arith.constant 80 : index
        %get3A_163 = tpu.vector_load %arg14[%get3A_161, %get3A_162] {strides = array<i32>} : memref<128x128xf32, #tpu.memory_space<vmem>>, vector<1x16xf32>,
        %get3A_164 = vector.shape_cast %get3A_163 : vector<1x16xf32> to vector<16xf32>
        %sub3A_165 = arith.subf %get3A_160, %get3A_164 : vector<16xf32>
        %max3A_166 = arith.constant 0.000000e+00 : f32
        %max3A_167 = vector.broadcast %max3A_166 : f32 to vector<16xf32>
        %max3A_168 = arith.maximumf %sub3A_165, %max3A_167 : vector<16xf32>
        %swap3A_169 = arith.index_cast %scan3A_74 : i32 to index
        %swap3A_170 = arith.constant 80 : index
        %swap3A_171 = tpu.vector_load %arg13[%swap3A_169, %swap3A_170] {strides = array<i32>} : memref<128x128xf32, #tpu.memory_space<vmem>>, vector<1x16xf32>,
        %swap3A_172 = vector.shape_cast %swap3A_171 : vector<1x16xf32> to vector<16xf32>
        %swap3A_173 = vector.shape_cast %max3A_168 : vector<16xf32> to vector<1x16xf32>
        tpu.vector_store %arg13[%swap3A_169, %swap3A_170], %swap3A_173 {strides = array<i32>} : memref<128x128xf32, #tpu.memory_space<vmem>>, vector<1x16xf32>,
        %get3A_174 = arith.index_cast %scan3A_74 : i32 to index
        %get3A_175 = arith.constant 96 : index
        %get3A_176 = tpu.vector_load %arg13[%get3A_174, %get3A_175] {strides = array<i32>} : memref<128x128xf32, #tpu.memory_space<vmem>>, vector<1x16xf32>,
        %get3A_177 = vector.shape_cast %get3A_176 : vector<1x16xf32> to vector<16xf32>
        %get3A_178 = arith.index_cast %scan3A_74 : i32 to index
        %get3A_179 = arith.constant 96 : index
        %get3A_180 = tpu.vector_load %arg14[%get3A_178, %get3A_179] {strides = array<i32>} : memref<128x128xf32, #tpu.memory_space<vmem>>, vector<1x16xf32>,
        %get3A_181 = vector.shape_cast %get3A_180 : vector<1x16xf32> to vector<16xf32>
        %sub3A_182 = arith.subf %get3A_177, %get3A_181 : vector<16xf32>
        %max3A_183 = arith.constant 0.000000e+00 : f32
        %max3A_184 = vector.broadcast %max3A_183 : f32 to vector<16xf32>
        %max3A_185 = arith.maximumf %sub3A_182, %max3A_184 : vector<16xf32>
        %swap3A_186 = arith.index_cast %scan3A_74 : i32 to index
        %swap3A_187 = arith.constant 96 : index
        %swap3A_188 = tpu.vector_load %arg13[%swap3A_186, %swap3A_187] {strides = array<i32>} : memref<128x128xf32, #tpu.memory_space<vmem>>, vector<1x16xf32>,
        %swap3A_189 = vector.shape_cast %swap3A_188 : vector<1x16xf32> to vector<16xf32>
        %swap3A_190 = vector.shape_cast %max3A_185 : vector<16xf32> to vector<1x16xf32>
        tpu.vector_store %arg13[%swap3A_186, %swap3A_187], %swap3A_190 {strides = array<i32>} : memref<128x128xf32, #tpu.memory_space<vmem>>, vector<1x16xf32>,
        %get3A_191 = arith.index_cast %scan3A_74 : i32 to index
        %get3A_192 = arith.constant 112 : index
        %get3A_193 = tpu.vector_load %arg13[%get3A_191, %get3A_192] {strides = array<i32>} : memref<128x128xf32, #tpu.memory_space<vmem>>, vector<1x16xf32>,
        %get3A_194 = vector.shape_cast %get3A_193 : vector<1x16xf32> to vector<16xf32>
        %get3A_195 = arith.index_cast %scan3A_74 : i32 to index
        %get3A_196 = arith.constant 112 : index
        %get3A_197 = tpu.vector_load %arg14[%get3A_195, %get3A_196] {strides = array<i32>} : memref<128x128xf32, #tpu.memory_space<vmem>>, vector<1x16xf32>,
        %get3A_198 = vector.shape_cast %get3A_197 : vector<1x16xf32> to vector<16xf32>
        %sub3A_199 = arith.subf %get3A_194, %get3A_198 : vector<16xf32>
        %max3A_200 = arith.constant 0.000000e+00 : f32
        %max3A_201 = vector.broadcast %max3A_200 : f32 to vector<16xf32>
        %max3A_202 = arith.maximumf %sub3A_199, %max3A_201 : vector<16xf32>
        %swap3A_203 = arith.index_cast %scan3A_74 : i32 to index
        %swap3A_204 = arith.constant 112 : index
        %swap3A_205 = tpu.vector_load %arg13[%swap3A_203, %swap3A_204] {strides = array<i32>} : memref<128x128xf32, #tpu.memory_space<vmem>>, vector<1x16xf32>,
        %swap3A_206 = vector.shape_cast %swap3A_205 : vector<1x16xf32> to vector<16xf32>
        %swap3A_207 = vector.shape_cast %max3A_202 : vector<16xf32> to vector<1x16xf32>
        tpu.vector_store %arg13[%swap3A_203, %swap3A_204], %swap3A_207 {strides = array<i32>} : memref<128x128xf32, #tpu.memory_space<vmem>>, vector<1x16xf32>,
        %scan3A_208 = arith.constant 0 : i32
        scf.yield %scan3A_208 : i32
      }
      %scan3A_72 = arith.constant 128 : i32
      "tpu.region"() ({
        %run_scoped3A = tpu.sem_alloc : memref<!tpu.dma_semaphore, #tpu.memory_space<semaphore_mem>>
        %dma_start3A_74 = arith.constant 0 : i32
        %dma_start3A_75 = arith.constant 0 : i32
        %dma_start3A_76 = tpu.memref_slice %arg10[%dma_start3A_74, %dma_start3A_75] : memref<10120x128xf32, #tpu.memory_space<vmem_shared>> -> memref<10120x128xf32, #tpu.memory_space<vmem_shared>>
        tpu.enqueue_indirect_dma source(%arg13 : memref<128x128xf32, #tpu.memory_space<vmem>>) target(%dma_start3A_76 : memref<10120x128xf32, #tpu.memory_space<vmem_shared>>) offsets(%arg12 : memref<128xi32, #tpu.memory_space<vmem>>) semaphore(%run_scoped3A : memref<!tpu.dma_semaphore, #tpu.memory_space<semaphore_mem>>) {add = true}
        %dma_wait3A_77 = arith.constant 0 : i32
        %dma_wait3A_78 = arith.constant 0 : i32
        %dma_wait3A_79 = tpu.memref_slice %arg10[%dma_wait3A_77, %dma_wait3A_78] : memref<10120x128xf32, #tpu.memory_space<vmem_shared>> -> memref<10120x128xf32, #tpu.memory_space<vmem_shared>>
        tpu.wait_indirect_dma semaphore(%run_scoped3A : memref<!tpu.dma_semaphore, #tpu.memory_space<semaphore_mem>>) src(%arg13 : memref<128x128xf32, #tpu.memory_space<vmem>>) dst(%dma_wait3A_79 : memref<10120x128xf32, #tpu.memory_space<vmem_shared>>)
        tpu.yield
      }) : () -> ()
      %scan3A_73 = arith.constant 0 : i32
      scf.yield %scan3A_73 : i32
    }
    %scan3A_12 = arith.constant 79 : i32
    %barrier3A_13 = arith.constant 0 : index
    tpu.barrier barrier_id(%barrier3A_13)
    %mul3A_14 = arith.constant 2 : i32
    %mul3A_15 = arith.muli %arg0, %mul3A_14 : i32
    %add3A_16 = arith.constant 0 : i32
    %add3A_17 = arith.addi %mul3A_15, %add3A_16 : i32
    %mul3A_18 = arith.constant 10112 : i32
    %mul3A_19 = arith.muli %add3A_17, %mul3A_18 : i32
    %mul3A_20 = arith.constant 632 : i32
    %mul3A_21 = arith.muli %arg1, %mul3A_20 : i32
    %add3A_22 = arith.addi %mul3A_19, %mul3A_21 : i32
    %mul3A_23 = arith.constant 632 : i32
    %mul3A_24 = arith.muli %arg1, %mul3A_23 : i32
    "tpu.region"() ({
      %run_scoped3A = tpu.sem_alloc : memref<!tpu.dma_semaphore, #tpu.memory_space<semaphore_mem>>
      %dma_start3A = arith.constant 0 : i32
      %dma_start3A_51 = tpu.memref_slice %arg9[%add3A_22, %dma_start3A] : memref<40448x128xf32, #tpu.memory_space<hbm>> -> memref<632x128xf32, #tpu.memory_space<hbm>>
      %dma_start3A_52 = arith.constant 0 : i32
      %dma_start3A_53 = tpu.memref_slice %arg10[%mul3A_24, %dma_start3A_52] : memref<10120x128xf32, #tpu.memory_space<vmem_shared>> -> memref<632x128xf32, #tpu.memory_space<vmem_shared>>
      tpu.enqueue_dma source(%dma_start3A_53 : memref<632x128xf32, #tpu.memory_space<vmem_shared>>) target(%dma_start3A_51 : memref<632x128xf32, #tpu.memory_space<hbm>>) target_semaphore(%run_scoped3A : memref<!tpu.dma_semaphore, #tpu.memory_space<semaphore_mem>>)
      %dma_wait3A = arith.constant 0 : i32
      %dma_wait3A_54 = tpu.memref_slice %arg9[%add3A_22, %dma_wait3A] : memref<40448x128xf32, #tpu.memory_space<hbm>> -> memref<632x128xf32, #tpu.memory_space<hbm>>
      %dma_wait3A_55 = arith.constant 0 : i32
      %dma_wait3A_56 = tpu.memref_slice %arg10[%mul3A_24, %dma_wait3A_55] : memref<10120x128xf32, #tpu.memory_space<vmem_shared>> -> memref<632x128xf32, #tpu.memory_space<vmem_shared>>
      tpu.wait_dma2 semaphore(%run_scoped3A : memref<!tpu.dma_semaphore, #tpu.memory_space<semaphore_mem>>) src(%dma_wait3A_56 : memref<632x128xf32, #tpu.memory_space<vmem_shared>>) dst(%dma_wait3A_54 : memref<632x128xf32, #tpu.memory_space<hbm>>)
      tpu.yield
    }) : () -> ()
    %barrier3A_25 = arith.constant 0 : index
    tpu.barrier barrier_id(%barrier3A_25)
    %mul3A_26 = arith.constant 632 : i32
    %mul3A_27 = arith.muli %arg1, %mul3A_26 : i32
    %mul3A_28 = arith.constant 632 : i32
    %mul3A_29 = arith.muli %arg1, %mul3A_28 : i32
    "tpu.region"() ({
      %run_scoped3A = tpu.sem_alloc : memref<!tpu.dma_semaphore, #tpu.memory_space<semaphore_mem>>
      %dma_start3A = arith.constant 0 : i32
      %dma_start3A_51 = tpu.memref_slice %arg10[%mul3A_29, %dma_start3A] : memref<10120x128xf32, #tpu.memory_space<vmem_shared>> -> memref<632x128xf32, #tpu.memory_space<vmem_shared>>
      %dma_start3A_52 = arith.constant 0 : i32
      %dma_start3A_53 = tpu.memref_slice %arg8[%mul3A_27, %dma_start3A_52] : memref<10112x128xf32, #tpu.memory_space<hbm>> -> memref<632x128xf32, #tpu.memory_space<hbm>>
      tpu.enqueue_dma source(%dma_start3A_53 : memref<632x128xf32, #tpu.memory_space<hbm>>) target(%dma_start3A_51 : memref<632x128xf32, #tpu.memory_space<vmem_shared>>) target_semaphore(%run_scoped3A : memref<!tpu.dma_semaphore, #tpu.memory_space<semaphore_mem>>)
      %dma_wait3A = arith.constant 0 : i32
      %dma_wait3A_54 = tpu.memref_slice %arg10[%mul3A_29, %dma_wait3A] : memref<10120x128xf32, #tpu.memory_space<vmem_shared>> -> memref<632x128xf32, #tpu.memory_space<vmem_shared>>
      %dma_wait3A_55 = arith.constant 0 : i32
      %dma_wait3A_56 = tpu.memref_slice %arg8[%mul3A_27, %dma_wait3A_55] : memref<10112x128xf32, #tpu.memory_space<hbm>> -> memref<632x128xf32, #tpu.memory_space<hbm>>
      tpu.wait_dma2 semaphore(%run_scoped3A : memref<!tpu.dma_semaphore, #tpu.memory_space<semaphore_mem>>) src(%dma_wait3A_56 : memref<632x128xf32, #tpu.memory_space<hbm>>) dst(%dma_wait3A_54 : memref<632x128xf32, #tpu.memory_space<vmem_shared>>)
      tpu.yield
    }) : () -> ()
    %barrier3A_30 = arith.constant 0 : index
    tpu.barrier barrier_id(%barrier3A_30)
    %scan3A_31 = arith.constant 0 : i32
    %scan3A_32 = arith.constant 0 : i32
    %scan3A_33 = arith.constant 79 : i32
    %scan3A_34 = arith.addi %scan3A_32, %scan3A_33 : i32
    %scan3A_35 = arith.constant 1 : i32
    %scan3A_36 = scf.for %scan3A_51 = %scan3A_32 to %scan3A_34 step %scan3A_35 iter_args(%scan3A_52 = %scan3A_31) -> (i32)  : i32 {
      %mul3A_53 = arith.constant 128 : i32
      %mul3A_54 = arith.muli %scan3A_51, %mul3A_53 : i32
      %add3A_55 = arith.addi %mul3A_2, %mul3A_54 : i32
      "tpu.region"() ({
        %run_scoped3A = tpu.sem_alloc : memref<!tpu.dma_semaphore, #tpu.memory_space<semaphore_mem>>
        %dma_start3A_74 = tpu.memref_slice %arg6[%add3A_55] : memref<323584xi32, #tpu.memory_space<hbm>> -> memref<128xi32, #tpu.memory_space<hbm>>
        %dma_start3A_75 = tpu.memref_slice %arg6[%add3A_55] : memref<323584xi32, #tpu.memory_space<hbm>> -> memref<128xi32, #tpu.memory_space<hbm>>
        tpu.enqueue_dma source(%dma_start3A_75 : memref<128xi32, #tpu.memory_space<hbm>>) target(%arg11 : memref<128xi32, #tpu.memory_space<vmem>>) target_semaphore(%run_scoped3A : memref<!tpu.dma_semaphore, #tpu.memory_space<semaphore_mem>>)
        %dma_wait3A_76 = tpu.memref_slice %arg6[%add3A_55] : memref<323584xi32, #tpu.memory_space<hbm>> -> memref<128xi32, #tpu.memory_space<hbm>>
        %dma_wait3A_77 = tpu.memref_slice %arg6[%add3A_55] : memref<323584xi32, #tpu.memory_space<hbm>> -> memref<128xi32, #tpu.memory_space<hbm>>
        tpu.wait_dma2 semaphore(%run_scoped3A : memref<!tpu.dma_semaphore, #tpu.memory_space<semaphore_mem>>) src(%dma_wait3A_77 : memref<128xi32, #tpu.memory_space<hbm>>) dst(%arg11 : memref<128xi32, #tpu.memory_space<vmem>>)
        tpu.yield
      }) : () -> ()
      "tpu.region"() ({
        %run_scoped3A = tpu.sem_alloc : memref<!tpu.dma_semaphore, #tpu.memory_space<semaphore_mem>>
        %dma_start3A_74 = tpu.memref_slice %arg7[%add3A_55] : memref<323584xi32, #tpu.memory_space<hbm>> -> memref<128xi32, #tpu.memory_space<hbm>>
        %dma_start3A_75 = tpu.memref_slice %arg7[%add3A_55] : memref<323584xi32, #tpu.memory_space<hbm>> -> memref<128xi32, #tpu.memory_space<hbm>>
        tpu.enqueue_dma source(%dma_start3A_75 : memref<128xi32, #tpu.memory_space<hbm>>) target(%arg12 : memref<128xi32, #tpu.memory_space<vmem>>) target_semaphore(%run_scoped3A : memref<!tpu.dma_semaphore, #tpu.memory_space<semaphore_mem>>)
        %dma_wait3A_76 = tpu.memref_slice %arg7[%add3A_55] : memref<323584xi32, #tpu.memory_space<hbm>> -> memref<128xi32, #tpu.memory_space<hbm>>
        %dma_wait3A_77 = tpu.memref_slice %arg7[%add3A_55] : memref<323584xi32, #tpu.memory_space<hbm>> -> memref<128xi32, #tpu.memory_space<hbm>>
        tpu.wait_dma2 semaphore(%run_scoped3A : memref<!tpu.dma_semaphore, #tpu.memory_space<semaphore_mem>>) src(%dma_wait3A_77 : memref<128xi32, #tpu.memory_space<hbm>>) dst(%arg12 : memref<128xi32, #tpu.memory_space<vmem>>)
        tpu.yield
      }) : () -> ()
      %dma_start3A = arith.constant 0 : i32
      %dma_start3A_56 = arith.constant 0 : i32
      %dma_start3A_57 = tpu.memref_slice %arg3[%dma_start3A, %dma_start3A_56] : memref<10000x128xf32, #tpu.memory_space<hbm>> -> memref<10000x128xf32, #tpu.memory_space<hbm>>
      tpu.enqueue_indirect_dma source(%dma_start3A_57 : memref<10000x128xf32, #tpu.memory_space<hbm>>) target(%arg13 : memref<128x128xf32, #tpu.memory_space<vmem>>) offsets(%arg11 : memref<128xi32, #tpu.memory_space<vmem>>) semaphore(%arg15 : memref<!tpu.dma_semaphore, #tpu.memory_space<semaphore_mem>>)
      %dma_start3A_58 = arith.constant 0 : i32
      %dma_start3A_59 = arith.constant 0 : i32
      %dma_start3A_60 = tpu.memref_slice %arg5[%dma_start3A_58, %dma_start3A_59] : memref<10000x128xf32, #tpu.memory_space<hbm>> -> memref<10000x128xf32, #tpu.memory_space<hbm>>
      tpu.enqueue_indirect_dma source(%dma_start3A_60 : memref<10000x128xf32, #tpu.memory_space<hbm>>) target(%arg14 : memref<128x128xf32, #tpu.memory_space<vmem>>) offsets(%arg12 : memref<128xi32, #tpu.memory_space<vmem>>) semaphore(%arg16 : memref<!tpu.dma_semaphore, #tpu.memory_space<semaphore_mem>>)
      %dma_wait3A = arith.constant 0 : i32
      %dma_wait3A_61 = arith.constant 0 : i32
      %dma_wait3A_62 = tpu.memref_slice %arg3[%dma_wait3A, %dma_wait3A_61] : memref<10000x128xf32, #tpu.memory_space<hbm>> -> memref<10000x128xf32, #tpu.memory_space<hbm>>
      tpu.wait_indirect_dma semaphore(%arg15 : memref<!tpu.dma_semaphore, #tpu.memory_space<semaphore_mem>>) src(%dma_wait3A_62 : memref<10000x128xf32, #tpu.memory_space<hbm>>) dst(%arg13 : memref<128x128xf32, #tpu.memory_space<vmem>>)
      %dma_wait3A_63 = arith.constant 0 : i32
      %dma_wait3A_64 = arith.constant 0 : i32
      %dma_wait3A_65 = tpu.memref_slice %arg5[%dma_wait3A_63, %dma_wait3A_64] : memref<10000x128xf32, #tpu.memory_space<hbm>> -> memref<10000x128xf32, #tpu.memory_space<hbm>>
      tpu.wait_indirect_dma semaphore(%arg16 : memref<!tpu.dma_semaphore, #tpu.memory_space<semaphore_mem>>) src(%dma_wait3A_65 : memref<10000x128xf32, #tpu.memory_space<hbm>>) dst(%arg14 : memref<128x128xf32, #tpu.memory_space<vmem>>)
      %scan3A_66 = arith.constant 0 : i32
      %scan3A_67 = arith.constant 0 : i32
      %scan3A_68 = arith.constant 128 : i32
      %scan3A_69 = arith.addi %scan3A_67, %scan3A_68 : i32
      %scan3A_70 = arith.constant 1 : i32
      %scan3A_71 = scf.for %scan3A_74 = %scan3A_67 to %scan3A_69 step %scan3A_70 iter_args(%scan3A_75 = %scan3A_66) -> (i32)  : i32 {
        %get3A = arith.index_cast %scan3A_74 : i32 to index
        %get3A_76 = arith.constant 0 : index
        %get3A_77 = tpu.vector_load %arg13[%get3A, %get3A_76] {strides = array<i32>} : memref<128x128xf32, #tpu.memory_space<vmem>>, vector<1x16xf32>,
        %get3A_78 = vector.shape_cast %get3A_77 : vector<1x16xf32> to vector<16xf32>
        %get3A_79 = arith.index_cast %scan3A_74 : i32 to index
        %get3A_80 = arith.constant 0 : index
        %get3A_81 = tpu.vector_load %arg14[%get3A_79, %get3A_80] {strides = array<i32>} : memref<128x128xf32, #tpu.memory_space<vmem>>, vector<1x16xf32>,
        %get3A_82 = vector.shape_cast %get3A_81 : vector<1x16xf32> to vector<16xf32>
        %sub3A = arith.subf %get3A_78, %get3A_82 : vector<16xf32>
        %max3A = arith.constant 0.000000e+00 : f32
        %max3A_83 = vector.broadcast %max3A : f32 to vector<16xf32>
        %max3A_84 = arith.maximumf %sub3A, %max3A_83 : vector<16xf32>
        %swap3A = arith.index_cast %scan3A_74 : i32 to index
        %swap3A_85 = arith.constant 0 : index
        %swap3A_86 = tpu.vector_load %arg13[%swap3A, %swap3A_85] {strides = array<i32>} : memref<128x128xf32, #tpu.memory_space<vmem>>, vector<1x16xf32>,
        %swap3A_87 = vector.shape_cast %swap3A_86 : vector<1x16xf32> to vector<16xf32>
        %swap3A_88 = vector.shape_cast %max3A_84 : vector<16xf32> to vector<1x16xf32>
        tpu.vector_store %arg13[%swap3A, %swap3A_85], %swap3A_88 {strides = array<i32>} : memref<128x128xf32, #tpu.memory_space<vmem>>, vector<1x16xf32>,
        %get3A_89 = arith.index_cast %scan3A_74 : i32 to index
        %get3A_90 = arith.constant 16 : index
        %get3A_91 = tpu.vector_load %arg13[%get3A_89, %get3A_90] {strides = array<i32>} : memref<128x128xf32, #tpu.memory_space<vmem>>, vector<1x16xf32>,
        %get3A_92 = vector.shape_cast %get3A_91 : vector<1x16xf32> to vector<16xf32>
        %get3A_93 = arith.index_cast %scan3A_74 : i32 to index
        %get3A_94 = arith.constant 16 : index
        %get3A_95 = tpu.vector_load %arg14[%get3A_93, %get3A_94] {strides = array<i32>} : memref<128x128xf32, #tpu.memory_space<vmem>>, vector<1x16xf32>,
        %get3A_96 = vector.shape_cast %get3A_95 : vector<1x16xf32> to vector<16xf32>
        %sub3A_97 = arith.subf %get3A_92, %get3A_96 : vector<16xf32>
        %max3A_98 = arith.constant 0.000000e+00 : f32
        %max3A_99 = vector.broadcast %max3A_98 : f32 to vector<16xf32>
        %max3A_100 = arith.maximumf %sub3A_97, %max3A_99 : vector<16xf32>
        %swap3A_101 = arith.index_cast %scan3A_74 : i32 to index
        %swap3A_102 = arith.constant 16 : index
        %swap3A_103 = tpu.vector_load %arg13[%swap3A_101, %swap3A_102] {strides = array<i32>} : memref<128x128xf32, #tpu.memory_space<vmem>>, vector<1x16xf32>,
        %swap3A_104 = vector.shape_cast %swap3A_103 : vector<1x16xf32> to vector<16xf32>
        %swap3A_105 = vector.shape_cast %max3A_100 : vector<16xf32> to vector<1x16xf32>
        tpu.vector_store %arg13[%swap3A_101, %swap3A_102], %swap3A_105 {strides = array<i32>} : memref<128x128xf32, #tpu.memory_space<vmem>>, vector<1x16xf32>,
        %get3A_106 = arith.index_cast %scan3A_74 : i32 to index
        %get3A_107 = arith.constant 32 : index
        %get3A_108 = tpu.vector_load %arg13[%get3A_106, %get3A_107] {strides = array<i32>} : memref<128x128xf32, #tpu.memory_space<vmem>>, vector<1x16xf32>,
        %get3A_109 = vector.shape_cast %get3A_108 : vector<1x16xf32> to vector<16xf32>
        %get3A_110 = arith.index_cast %scan3A_74 : i32 to index
        %get3A_111 = arith.constant 32 : index
        %get3A_112 = tpu.vector_load %arg14[%get3A_110, %get3A_111] {strides = array<i32>} : memref<128x128xf32, #tpu.memory_space<vmem>>, vector<1x16xf32>,
        %get3A_113 = vector.shape_cast %get3A_112 : vector<1x16xf32> to vector<16xf32>
        %sub3A_114 = arith.subf %get3A_109, %get3A_113 : vector<16xf32>
        %max3A_115 = arith.constant 0.000000e+00 : f32
        %max3A_116 = vector.broadcast %max3A_115 : f32 to vector<16xf32>
        %max3A_117 = arith.maximumf %sub3A_114, %max3A_116 : vector<16xf32>
        %swap3A_118 = arith.index_cast %scan3A_74 : i32 to index
        %swap3A_119 = arith.constant 32 : index
        %swap3A_120 = tpu.vector_load %arg13[%swap3A_118, %swap3A_119] {strides = array<i32>} : memref<128x128xf32, #tpu.memory_space<vmem>>, vector<1x16xf32>,
        %swap3A_121 = vector.shape_cast %swap3A_120 : vector<1x16xf32> to vector<16xf32>
        %swap3A_122 = vector.shape_cast %max3A_117 : vector<16xf32> to vector<1x16xf32>
        tpu.vector_store %arg13[%swap3A_118, %swap3A_119], %swap3A_122 {strides = array<i32>} : memref<128x128xf32, #tpu.memory_space<vmem>>, vector<1x16xf32>,
        %get3A_123 = arith.index_cast %scan3A_74 : i32 to index
        %get3A_124 = arith.constant 48 : index
        %get3A_125 = tpu.vector_load %arg13[%get3A_123, %get3A_124] {strides = array<i32>} : memref<128x128xf32, #tpu.memory_space<vmem>>, vector<1x16xf32>,
        %get3A_126 = vector.shape_cast %get3A_125 : vector<1x16xf32> to vector<16xf32>
        %get3A_127 = arith.index_cast %scan3A_74 : i32 to index
        %get3A_128 = arith.constant 48 : index
        %get3A_129 = tpu.vector_load %arg14[%get3A_127, %get3A_128] {strides = array<i32>} : memref<128x128xf32, #tpu.memory_space<vmem>>, vector<1x16xf32>,
        %get3A_130 = vector.shape_cast %get3A_129 : vector<1x16xf32> to vector<16xf32>
        %sub3A_131 = arith.subf %get3A_126, %get3A_130 : vector<16xf32>
        %max3A_132 = arith.constant 0.000000e+00 : f32
        %max3A_133 = vector.broadcast %max3A_132 : f32 to vector<16xf32>
        %max3A_134 = arith.maximumf %sub3A_131, %max3A_133 : vector<16xf32>
        %swap3A_135 = arith.index_cast %scan3A_74 : i32 to index
        %swap3A_136 = arith.constant 48 : index
        %swap3A_137 = tpu.vector_load %arg13[%swap3A_135, %swap3A_136] {strides = array<i32>} : memref<128x128xf32, #tpu.memory_space<vmem>>, vector<1x16xf32>,
        %swap3A_138 = vector.shape_cast %swap3A_137 : vector<1x16xf32> to vector<16xf32>
        %swap3A_139 = vector.shape_cast %max3A_134 : vector<16xf32> to vector<1x16xf32>
        tpu.vector_store %arg13[%swap3A_135, %swap3A_136], %swap3A_139 {strides = array<i32>} : memref<128x128xf32, #tpu.memory_space<vmem>>, vector<1x16xf32>,
        %get3A_140 = arith.index_cast %scan3A_74 : i32 to index
        %get3A_141 = arith.constant 64 : index
        %get3A_142 = tpu.vector_load %arg13[%get3A_140, %get3A_141] {strides = array<i32>} : memref<128x128xf32, #tpu.memory_space<vmem>>, vector<1x16xf32>,
        %get3A_143 = vector.shape_cast %get3A_142 : vector<1x16xf32> to vector<16xf32>
        %get3A_144 = arith.index_cast %scan3A_74 : i32 to index
        %get3A_145 = arith.constant 64 : index
        %get3A_146 = tpu.vector_load %arg14[%get3A_144, %get3A_145] {strides = array<i32>} : memref<128x128xf32, #tpu.memory_space<vmem>>, vector<1x16xf32>,
        %get3A_147 = vector.shape_cast %get3A_146 : vector<1x16xf32> to vector<16xf32>
        %sub3A_148 = arith.subf %get3A_143, %get3A_147 : vector<16xf32>
        %max3A_149 = arith.constant 0.000000e+00 : f32
        %max3A_150 = vector.broadcast %max3A_149 : f32 to vector<16xf32>
        %max3A_151 = arith.maximumf %sub3A_148, %max3A_150 : vector<16xf32>
        %swap3A_152 = arith.index_cast %scan3A_74 : i32 to index
        %swap3A_153 = arith.constant 64 : index
        %swap3A_154 = tpu.vector_load %arg13[%swap3A_152, %swap3A_153] {strides = array<i32>} : memref<128x128xf32, #tpu.memory_space<vmem>>, vector<1x16xf32>,
        %swap3A_155 = vector.shape_cast %swap3A_154 : vector<1x16xf32> to vector<16xf32>
        %swap3A_156 = vector.shape_cast %max3A_151 : vector<16xf32> to vector<1x16xf32>
        tpu.vector_store %arg13[%swap3A_152, %swap3A_153], %swap3A_156 {strides = array<i32>} : memref<128x128xf32, #tpu.memory_space<vmem>>, vector<1x16xf32>,
        %get3A_157 = arith.index_cast %scan3A_74 : i32 to index
        %get3A_158 = arith.constant 80 : index
        %get3A_159 = tpu.vector_load %arg13[%get3A_157, %get3A_158] {strides = array<i32>} : memref<128x128xf32, #tpu.memory_space<vmem>>, vector<1x16xf32>,
        %get3A_160 = vector.shape_cast %get3A_159 : vector<1x16xf32> to vector<16xf32>
        %get3A_161 = arith.index_cast %scan3A_74 : i32 to index
        %get3A_162 = arith.constant 80 : index
        %get3A_163 = tpu.vector_load %arg14[%get3A_161, %get3A_162] {strides = array<i32>} : memref<128x128xf32, #tpu.memory_space<vmem>>, vector<1x16xf32>,
        %get3A_164 = vector.shape_cast %get3A_163 : vector<1x16xf32> to vector<16xf32>
        %sub3A_165 = arith.subf %get3A_160, %get3A_164 : vector<16xf32>
        %max3A_166 = arith.constant 0.000000e+00 : f32
        %max3A_167 = vector.broadcast %max3A_166 : f32 to vector<16xf32>
        %max3A_168 = arith.maximumf %sub3A_165, %max3A_167 : vector<16xf32>
        %swap3A_169 = arith.index_cast %scan3A_74 : i32 to index
        %swap3A_170 = arith.constant 80 : index
        %swap3A_171 = tpu.vector_load %arg13[%swap3A_169, %swap3A_170] {strides = array<i32>} : memref<128x128xf32, #tpu.memory_space<vmem>>, vector<1x16xf32>,
        %swap3A_172 = vector.shape_cast %swap3A_171 : vector<1x16xf32> to vector<16xf32>
        %swap3A_173 = vector.shape_cast %max3A_168 : vector<16xf32> to vector<1x16xf32>
        tpu.vector_store %arg13[%swap3A_169, %swap3A_170], %swap3A_173 {strides = array<i32>} : memref<128x128xf32, #tpu.memory_space<vmem>>, vector<1x16xf32>,
        %get3A_174 = arith.index_cast %scan3A_74 : i32 to index
        %get3A_175 = arith.constant 96 : index
        %get3A_176 = tpu.vector_load %arg13[%get3A_174, %get3A_175] {strides = array<i32>} : memref<128x128xf32, #tpu.memory_space<vmem>>, vector<1x16xf32>,
        %get3A_177 = vector.shape_cast %get3A_176 : vector<1x16xf32> to vector<16xf32>
        %get3A_178 = arith.index_cast %scan3A_74 : i32 to index
        %get3A_179 = arith.constant 96 : index
        %get3A_180 = tpu.vector_load %arg14[%get3A_178, %get3A_179] {strides = array<i32>} : memref<128x128xf32, #tpu.memory_space<vmem>>, vector<1x16xf32>,
        %get3A_181 = vector.shape_cast %get3A_180 : vector<1x16xf32> to vector<16xf32>
        %sub3A_182 = arith.subf %get3A_177, %get3A_181 : vector<16xf32>
        %max3A_183 = arith.constant 0.000000e+00 : f32
        %max3A_184 = vector.broadcast %max3A_183 : f32 to vector<16xf32>
        %max3A_185 = arith.maximumf %sub3A_182, %max3A_184 : vector<16xf32>
        %swap3A_186 = arith.index_cast %scan3A_74 : i32 to index
        %swap3A_187 = arith.constant 96 : index
        %swap3A_188 = tpu.vector_load %arg13[%swap3A_186, %swap3A_187] {strides = array<i32>} : memref<128x128xf32, #tpu.memory_space<vmem>>, vector<1x16xf32>,
        %swap3A_189 = vector.shape_cast %swap3A_188 : vector<1x16xf32> to vector<16xf32>
        %swap3A_190 = vector.shape_cast %max3A_185 : vector<16xf32> to vector<1x16xf32>
        tpu.vector_store %arg13[%swap3A_186, %swap3A_187], %swap3A_190 {strides = array<i32>} : memref<128x128xf32, #tpu.memory_space<vmem>>, vector<1x16xf32>,
        %get3A_191 = arith.index_cast %scan3A_74 : i32 to index
        %get3A_192 = arith.constant 112 : index
        %get3A_193 = tpu.vector_load %arg13[%get3A_191, %get3A_192] {strides = array<i32>} : memref<128x128xf32, #tpu.memory_space<vmem>>, vector<1x16xf32>,
        %get3A_194 = vector.shape_cast %get3A_193 : vector<1x16xf32> to vector<16xf32>
        %get3A_195 = arith.index_cast %scan3A_74 : i32 to index
        %get3A_196 = arith.constant 112 : index
        %get3A_197 = tpu.vector_load %arg14[%get3A_195, %get3A_196] {strides = array<i32>} : memref<128x128xf32, #tpu.memory_space<vmem>>, vector<1x16xf32>,
        %get3A_198 = vector.shape_cast %get3A_197 : vector<1x16xf32> to vector<16xf32>
        %sub3A_199 = arith.subf %get3A_194, %get3A_198 : vector<16xf32>
        %max3A_200 = arith.constant 0.000000e+00 : f32
        %max3A_201 = vector.broadcast %max3A_200 : f32 to vector<16xf32>
        %max3A_202 = arith.maximumf %sub3A_199, %max3A_201 : vector<16xf32>
        %swap3A_203 = arith.index_cast %scan3A_74 : i32 to index
        %swap3A_204 = arith.constant 112 : index
        %swap3A_205 = tpu.vector_load %arg13[%swap3A_203, %swap3A_204] {strides = array<i32>} : memref<128x128xf32, #tpu.memory_space<vmem>>, vector<1x16xf32>,
        %swap3A_206 = vector.shape_cast %swap3A_205 : vector<1x16xf32> to vector<16xf32>
        %swap3A_207 = vector.shape_cast %max3A_202 : vector<16xf32> to vector<1x16xf32>
        tpu.vector_store %arg13[%swap3A_203, %swap3A_204], %swap3A_207 {strides = array<i32>} : memref<128x128xf32, #tpu.memory_space<vmem>>, vector<1x16xf32>,
        %scan3A_208 = arith.constant 0 : i32
        scf.yield %scan3A_208 : i32
      }
      %scan3A_72 = arith.constant 128 : i32
      "tpu.region"() ({
        %run_scoped3A = tpu.sem_alloc : memref<!tpu.dma_semaphore, #tpu.memory_space<semaphore_mem>>
        %dma_start3A_74 = arith.constant 0 : i32
        %dma_start3A_75 = arith.constant 0 : i32
        %dma_start3A_76 = tpu.memref_slice %arg10[%dma_start3A_74, %dma_start3A_75] : memref<10120x128xf32, #tpu.memory_space<vmem_shared>> -> memref<10120x128xf32, #tpu.memory_space<vmem_shared>>
        tpu.enqueue_indirect_dma source(%arg13 : memref<128x128xf32, #tpu.memory_space<vmem>>) target(%dma_start3A_76 : memref<10120x128xf32, #tpu.memory_space<vmem_shared>>) offsets(%arg12 : memref<128xi32, #tpu.memory_space<vmem>>) semaphore(%run_scoped3A : memref<!tpu.dma_semaphore, #tpu.memory_space<semaphore_mem>>) {add = true}
        %dma_wait3A_77 = arith.constant 0 : i32
        %dma_wait3A_78 = arith.constant 0 : i32
        %dma_wait3A_79 = tpu.memref_slice %arg10[%dma_wait3A_77, %dma_wait3A_78] : memref<10120x128xf32, #tpu.memory_space<vmem_shared>> -> memref<10120x128xf32, #tpu.memory_space<vmem_shared>>
        tpu.wait_indirect_dma semaphore(%run_scoped3A : memref<!tpu.dma_semaphore, #tpu.memory_space<semaphore_mem>>) src(%arg13 : memref<128x128xf32, #tpu.memory_space<vmem>>) dst(%dma_wait3A_79 : memref<10120x128xf32, #tpu.memory_space<vmem_shared>>)
        tpu.yield
      }) : () -> ()
      %scan3A_73 = arith.constant 0 : i32
      scf.yield %scan3A_73 : i32
    }
    %scan3A_37 = arith.constant 79 : i32
    %barrier3A_38 = arith.constant 0 : index
    tpu.barrier barrier_id(%barrier3A_38)
    %mul3A_39 = arith.constant 2 : i32
    %mul3A_40 = arith.muli %arg0, %mul3A_39 : i32
    %add3A_41 = arith.constant 1 : i32
    %add3A_42 = arith.addi %mul3A_40, %add3A_41 : i32
    %mul3A_43 = arith.constant 10112 : i32
    %mul3A_44 = arith.muli %add3A_42, %mul3A_43 : i32
    %mul3A_45 = arith.constant 632 : i32
    %mul3A_46 = arith.muli %arg1, %mul3A_45 : i32
    %add3A_47 = arith.addi %mul3A_44, %mul3A_46 : i32
    %mul3A_48 = arith.constant 632 : i32
    %mul3A_49 = arith.muli %arg1, %mul3A_48 : i32
    "tpu.region"() ({
      %run_scoped3A = tpu.sem_alloc : memref<!tpu.dma_semaphore, #tpu.memory_space<semaphore_mem>>
      %dma_start3A = arith.constant 0 : i32
      %dma_start3A_51 = tpu.memref_slice %arg9[%add3A_47, %dma_start3A] : memref<40448x128xf32, #tpu.memory_space<hbm>> -> memref<632x128xf32, #tpu.memory_space<hbm>>
      %dma_start3A_52 = arith.constant 0 : i32
      %dma_start3A_53 = tpu.memref_slice %arg10[%mul3A_49, %dma_start3A_52] : memref<10120x128xf32, #tpu.memory_space<vmem_shared>> -> memref<632x128xf32, #tpu.memory_space<vmem_shared>>
      tpu.enqueue_dma source(%dma_start3A_53 : memref<632x128xf32, #tpu.memory_space<vmem_shared>>) target(%dma_start3A_51 : memref<632x128xf32, #tpu.memory_space<hbm>>) target_semaphore(%run_scoped3A : memref<!tpu.dma_semaphore, #tpu.memory_space<semaphore_mem>>)
      %dma_wait3A = arith.constant 0 : i32
      %dma_wait3A_54 = tpu.memref_slice %arg9[%add3A_47, %dma_wait3A] : memref<40448x128xf32, #tpu.memory_space<hbm>> -> memref<632x128xf32, #tpu.memory_space<hbm>>
      %dma_wait3A_55 = arith.constant 0 : i32
      %dma_wait3A_56 = tpu.memref_slice %arg10[%mul3A_49, %dma_wait3A_55] : memref<10120x128xf32, #tpu.memory_space<vmem_shared>> -> memref<632x128xf32, #tpu.memory_space<vmem_shared>>
      tpu.wait_dma2 semaphore(%run_scoped3A : memref<!tpu.dma_semaphore, #tpu.memory_space<semaphore_mem>>) src(%dma_wait3A_56 : memref<632x128xf32, #tpu.memory_space<vmem_shared>>) dst(%dma_wait3A_54 : memref<632x128xf32, #tpu.memory_space<hbm>>)
      tpu.yield
    }) : () -> ()
    %barrier3A_50 = arith.constant 0 : index
    tpu.barrier barrier_id(%barrier3A_50)
    return
  }
}

module attributes {stable_mosaic.version = 14 : i64} {
  func.func @_mm_bias_body(%arg0: i32, %arg1: i32, %arg2: memref<1000x128xf32, #tpu.memory_space<vmem>>, %arg3: memref<1x128x128xf32, #tpu.memory_space<vmem>>, %arg4: memref<1x1x128xf32, #tpu.memory_space<vmem>>, %arg5: memref<1x1000x128xf32, #tpu.memory_space<vmem>>) attributes {dimension_semantics = [#tpu.dimension_semantics<arbitrary>, #tpu.dimension_semantics<arbitrary>], iteration_bounds = array<i64: 2, 10>, scalar_prefetch = 0 : i64, scratch_operands = 0 : i64, tpu.core_type = #tpu.core_type<tc>, window_params = [{transform_indices = @transform_0, window_bounds = array<i64: 1000, 128>}, {transform_indices = @transform_1, window_bounds = array<i64: 1, 128, 128>}, {transform_indices = @transform_2, window_bounds = array<i64: 1, 1, 128>}, {transform_indices = @transform_3, window_bounds = array<i64: 1, 1000, 128>}]} {
    %get3A = arith.constant 0 : index
    %get3A_0 = arith.constant 0 : index
    %get3A_1 = vector.load %arg2[%get3A, %get3A_0] : memref<1000x128xf32, #tpu.memory_space<vmem>>, vector<1000x128xf32>
    %get3A_2 = arith.constant 0 : index
    %get3A_3 = arith.constant 0 : index
    %get3A_4 = arith.constant 0 : index
    %get3A_5 = vector.load %arg3[%get3A_2, %get3A_3, %get3A_4] : memref<1x128x128xf32, #tpu.memory_space<vmem>>, vector<1x128x128xf32>
    %get3A_6 = vector.shape_cast %get3A_5 : vector<1x128x128xf32> to vector<128x128xf32>
    %dot_general3A = arith.constant dense<0.000000e+00> : vector<1000x128xf32>
    %dot_general3A_7 = tpu.matmul %get3A_1, %get3A_6, %dot_general3A {dimension_numbers = #tpu.dot_dimension_numbers<[1], [0], [0], [1], [0, 0, 1, 1], [], []>, transpose_lhs_hint = false} : vector<1000x128xf32>, vector<128x128xf32>, vector<1000x128xf32> -> vector<1000x128xf32>
    %get3A_8 = arith.constant 0 : index
    %get3A_9 = arith.constant 0 : index
    %get3A_10 = arith.constant 0 : index
    %get3A_11 = vector.load %arg4[%get3A_8, %get3A_9, %get3A_10] : memref<1x1x128xf32, #tpu.memory_space<vmem>>, vector<1x1x128xf32>
    %get3A_12 = vector.shape_cast %get3A_11 : vector<1x1x128xf32> to vector<128xf32>
    %broadcast_in_dim3A = vector.shape_cast %get3A_12 : vector<128xf32> to vector<1x128xf32>
    %add3A = vector.broadcast %broadcast_in_dim3A : vector<1x128xf32> to vector<1000x128xf32>
    %add3A_13 = arith.addf %dot_general3A_7, %add3A : vector<1000x128xf32>
    %swap3A = arith.constant 0 : index
    %swap3A_14 = arith.constant 0 : index
    %swap3A_15 = arith.constant 0 : index
    %swap3A_16 = vector.load %arg5[%swap3A, %swap3A_14, %swap3A_15] : memref<1x1000x128xf32, #tpu.memory_space<vmem>>, vector<1x1000x128xf32>
    %swap3A_17 = vector.shape_cast %swap3A_16 : vector<1x1000x128xf32> to vector<1000x128xf32>
    %swap3A_18 = vector.shape_cast %add3A_13 : vector<1000x128xf32> to vector<1x1000x128xf32>
    tpu.vector_store %arg5[%swap3A, %swap3A_14, %swap3A_15], %swap3A_18 {strides = array<i32>} : memref<1x1000x128xf32, #tpu.memory_space<vmem>>, vector<1x1000x128xf32>,
    return
  }
  func.func @transform_0(%arg0: i32, %arg1: i32) -> (i32, i32) {
    %c0_i32 = arith.constant 0 : i32
    %c0_i32_0 = arith.constant 0 : i32
    return %arg1, %c0_i32 : i32, i32
  }
  func.func @transform_1(%arg0: i32, %arg1: i32) -> (i32, i32, i32) {
    %c0_i32 = arith.constant 0 : i32
    %c0_i32_0 = arith.constant 0 : i32
    %c0_i32_1 = arith.constant 0 : i32
    return %arg0, %c0_i32, %c0_i32_0 : i32, i32, i32
  }
  func.func @transform_2(%arg0: i32, %arg1: i32) -> (i32, i32, i32) {
    %c0_i32 = arith.constant 0 : i32
    %c0_i32_0 = arith.constant 0 : i32
    %c0_i32_1 = arith.constant 0 : i32
    return %arg0, %c0_i32, %c0_i32_0 : i32, i32, i32
  }
  func.func @transform_3(%arg0: i32, %arg1: i32) -> (i32, i32, i32) {
    %c0_i32 = arith.constant 0 : i32
    %c0_i32_0 = arith.constant 0 : i32
    return %arg0, %arg1, %c0_i32 : i32, i32, i32
  }
}

module attributes {stable_mosaic.version = 14 : i64} {
  func.func @_mm_enc_body(%arg0: i32, %arg1: i32, %arg2: memref<2x2x1000x128xf32, #tpu.memory_space<vmem>>, %arg3: memref<1000x128xf32, #tpu.memory_space<vmem>>, %arg4: memref<1x384x128xf32, #tpu.memory_space<vmem>>, %arg5: memref<1x1x128xf32, #tpu.memory_space<vmem>>, %arg6: memref<1x1000x128xf32, #tpu.memory_space<vmem>>) attributes {dimension_semantics = [#tpu.dimension_semantics<arbitrary>, #tpu.dimension_semantics<arbitrary>], iteration_bounds = array<i64: 2, 10>, scalar_prefetch = 0 : i64, scratch_operands = 0 : i64, tpu.core_type = #tpu.core_type<tc>, window_params = [{transform_indices = @transform_0, window_bounds = array<i64: 2, 2, 1000, 128>}, {transform_indices = @transform_1, window_bounds = array<i64: 1000, 128>}, {transform_indices = @transform_2, window_bounds = array<i64: 1, 384, 128>}, {transform_indices = @transform_3, window_bounds = array<i64: 1, 1, 128>}, {transform_indices = @transform_4, window_bounds = array<i64: 1, 1000, 128>}]} {
    %get3A = arith.constant 0 : index
    %get3A_0 = arith.constant 0 : index
    %get3A_1 = vector.load %arg3[%get3A, %get3A_0] : memref<1000x128xf32, #tpu.memory_space<vmem>>, vector<1000x128xf32>
    %get3A_2 = arith.constant 0 : index
    %get3A_3 = arith.constant 256 : index
    %get3A_4 = arith.constant 0 : index
    %get3A_5 = vector.load %arg4[%get3A_2, %get3A_3, %get3A_4] : memref<1x384x128xf32, #tpu.memory_space<vmem>>, vector<1x128x128xf32>
    %get3A_6 = vector.shape_cast %get3A_5 : vector<1x128x128xf32> to vector<128x128xf32>
    %dot_general3A = arith.constant dense<0.000000e+00> : vector<1000x128xf32>
    %dot_general3A_7 = tpu.matmul %get3A_1, %get3A_6, %dot_general3A {dimension_numbers = #tpu.dot_dimension_numbers<[1], [0], [0], [1], [0, 0, 1, 1], [], []>, transpose_lhs_hint = false} : vector<1000x128xf32>, vector<128x128xf32>, vector<1000x128xf32> -> vector<1000x128xf32>
    %get3A_8 = arith.constant 0 : index
    %get3A_9 = arith.constant 0 : index
    %get3A_10 = arith.constant 0 : index
    %get3A_11 = arith.constant 0 : index
    %get3A_12 = vector.load %arg2[%get3A_8, %get3A_9, %get3A_10, %get3A_11] : memref<2x2x1000x128xf32, #tpu.memory_space<vmem>>, vector<1x1x1000x128xf32>
    %get3A_13 = vector.shape_cast %get3A_12 : vector<1x1x1000x128xf32> to vector<1000x128xf32>
    %get3A_14 = arith.constant 1 : index
    %get3A_15 = arith.constant 0 : index
    %get3A_16 = arith.constant 0 : index
    %get3A_17 = arith.constant 0 : index
    %get3A_18 = vector.load %arg2[%get3A_14, %get3A_15, %get3A_16, %get3A_17] : memref<2x2x1000x128xf32, #tpu.memory_space<vmem>>, vector<1x1x1000x128xf32>
    %get3A_19 = vector.shape_cast %get3A_18 : vector<1x1x1000x128xf32> to vector<1000x128xf32>
    %add3A = arith.addf %get3A_13, %get3A_19 : vector<1000x128xf32>
    %get3A_20 = arith.constant 0 : index
    %get3A_21 = arith.constant 0 : index
    %get3A_22 = arith.constant 0 : index
    %get3A_23 = vector.load %arg4[%get3A_20, %get3A_21, %get3A_22] : memref<1x384x128xf32, #tpu.memory_space<vmem>>, vector<1x128x128xf32>
    %get3A_24 = vector.shape_cast %get3A_23 : vector<1x128x128xf32> to vector<128x128xf32>
    %dot_general3A_25 = arith.constant dense<0.000000e+00> : vector<1000x128xf32>
    %dot_general3A_26 = tpu.matmul %add3A, %get3A_24, %dot_general3A_25 {dimension_numbers = #tpu.dot_dimension_numbers<[1], [0], [0], [1], [0, 0, 1, 1], [], []>, transpose_lhs_hint = false} : vector<1000x128xf32>, vector<128x128xf32>, vector<1000x128xf32> -> vector<1000x128xf32>
    %add3A_27 = arith.addf %dot_general3A_7, %dot_general3A_26 : vector<1000x128xf32>
    %get3A_28 = arith.constant 0 : index
    %get3A_29 = arith.constant 1 : index
    %get3A_30 = arith.constant 0 : index
    %get3A_31 = arith.constant 0 : index
    %get3A_32 = vector.load %arg2[%get3A_28, %get3A_29, %get3A_30, %get3A_31] : memref<2x2x1000x128xf32, #tpu.memory_space<vmem>>, vector<1x1x1000x128xf32>
    %get3A_33 = vector.shape_cast %get3A_32 : vector<1x1x1000x128xf32> to vector<1000x128xf32>
    %get3A_34 = arith.constant 1 : index
    %get3A_35 = arith.constant 1 : index
    %get3A_36 = arith.constant 0 : index
    %get3A_37 = arith.constant 0 : index
    %get3A_38 = vector.load %arg2[%get3A_34, %get3A_35, %get3A_36, %get3A_37] : memref<2x2x1000x128xf32, #tpu.memory_space<vmem>>, vector<1x1x1000x128xf32>
    %get3A_39 = vector.shape_cast %get3A_38 : vector<1x1x1000x128xf32> to vector<1000x128xf32>
    %add3A_40 = arith.addf %get3A_33, %get3A_39 : vector<1000x128xf32>
    %get3A_41 = arith.constant 0 : index
    %get3A_42 = arith.constant 128 : index
    %get3A_43 = arith.constant 0 : index
    %get3A_44 = vector.load %arg4[%get3A_41, %get3A_42, %get3A_43] : memref<1x384x128xf32, #tpu.memory_space<vmem>>, vector<1x128x128xf32>
    %get3A_45 = vector.shape_cast %get3A_44 : vector<1x128x128xf32> to vector<128x128xf32>
    %dot_general3A_46 = arith.constant dense<0.000000e+00> : vector<1000x128xf32>
    %dot_general3A_47 = tpu.matmul %add3A_40, %get3A_45, %dot_general3A_46 {dimension_numbers = #tpu.dot_dimension_numbers<[1], [0], [0], [1], [0, 0, 1, 1], [], []>, transpose_lhs_hint = false} : vector<1000x128xf32>, vector<128x128xf32>, vector<1000x128xf32> -> vector<1000x128xf32>
    %add3A_48 = arith.addf %add3A_27, %dot_general3A_47 : vector<1000x128xf32>
    %get3A_49 = arith.constant 0 : index
    %get3A_50 = arith.constant 0 : index
    %get3A_51 = arith.constant 0 : index
    %get3A_52 = vector.load %arg5[%get3A_49, %get3A_50, %get3A_51] : memref<1x1x128xf32, #tpu.memory_space<vmem>>, vector<1x1x128xf32>
    %get3A_53 = vector.shape_cast %get3A_52 : vector<1x1x128xf32> to vector<128xf32>
    %broadcast_in_dim3A = vector.shape_cast %get3A_53 : vector<128xf32> to vector<1x128xf32>
    %add3A_54 = vector.broadcast %broadcast_in_dim3A : vector<1x128xf32> to vector<1000x128xf32>
    %add3A_55 = arith.addf %add3A_48, %add3A_54 : vector<1000x128xf32>
    %swap3A = arith.constant 0 : index
    %swap3A_56 = arith.constant 0 : index
    %swap3A_57 = arith.constant 0 : index
    %swap3A_58 = vector.load %arg6[%swap3A, %swap3A_56, %swap3A_57] : memref<1x1000x128xf32, #tpu.memory_space<vmem>>, vector<1x1000x128xf32>
    %swap3A_59 = vector.shape_cast %swap3A_58 : vector<1x1000x128xf32> to vector<1000x128xf32>
    %swap3A_60 = vector.shape_cast %add3A_55 : vector<1000x128xf32> to vector<1x1000x128xf32>
    tpu.vector_store %arg6[%swap3A, %swap3A_56, %swap3A_57], %swap3A_60 {strides = array<i32>} : memref<1x1000x128xf32, #tpu.memory_space<vmem>>, vector<1x1000x128xf32>,
    return
  }
  func.func @transform_0(%arg0: i32, %arg1: i32) -> (i32, i32, i32, i32) {
    %c0_i32 = arith.constant 0 : i32
    %c0_i32_0 = arith.constant 0 : i32
    %c0_i32_1 = arith.constant 0 : i32
    %c0_i32_2 = arith.constant 0 : i32
    return %c0_i32, %c0_i32_0, %arg1, %c0_i32_1 : i32, i32, i32, i32
  }
  func.func @transform_1(%arg0: i32, %arg1: i32) -> (i32, i32) {
    %c0_i32 = arith.constant 0 : i32
    %c0_i32_0 = arith.constant 0 : i32
    return %arg1, %c0_i32 : i32, i32
  }
  func.func @transform_2(%arg0: i32, %arg1: i32) -> (i32, i32, i32) {
    %c0_i32 = arith.constant 0 : i32
    %c0_i32_0 = arith.constant 0 : i32
    %c0_i32_1 = arith.constant 0 : i32
    return %arg0, %c0_i32, %c0_i32_0 : i32, i32, i32
  }
  func.func @transform_3(%arg0: i32, %arg1: i32) -> (i32, i32, i32) {
    %c0_i32 = arith.constant 0 : i32
    %c0_i32_0 = arith.constant 0 : i32
    %c0_i32_1 = arith.constant 0 : i32
    return %arg0, %c0_i32, %c0_i32_0 : i32, i32, i32
  }
  func.func @transform_4(%arg0: i32, %arg1: i32) -> (i32, i32, i32) {
    %c0_i32 = arith.constant 0 : i32
    %c0_i32_0 = arith.constant 0 : i32
    return %arg0, %arg1, %c0_i32 : i32, i32, i32
  }
}

module attributes {stable_mosaic.version = 14 : i64} {
  func.func @_dec_body(%arg0: i32, %arg1: memref<2x2x1000x128xf32, #tpu.memory_space<vmem>>, %arg2: memref<256x128xf32, #tpu.memory_space<vmem>>, %arg3: memref<1x128xf32, #tpu.memory_space<vmem>>, %arg4: memref<1000x128xf32, #tpu.memory_space<vmem>>) attributes {dimension_semantics = [#tpu.dimension_semantics<arbitrary>], iteration_bounds = array<i64: 10>, scalar_prefetch = 0 : i64, scratch_operands = 0 : i64, tpu.core_type = #tpu.core_type<tc>, window_params = [{transform_indices = @transform_0, window_bounds = array<i64: 2, 2, 1000, 128>}, {pipeline_mode = #tpu.pipeline_mode<synchronous>, transform_indices = @transform_1, window_bounds = array<i64: 256, 128>}, {pipeline_mode = #tpu.pipeline_mode<synchronous>, transform_indices = @transform_2, window_bounds = array<i64: 1, 128>}, {transform_indices = @transform_3, window_bounds = array<i64: 1000, 128>}]} {
    %get3A = arith.constant 0 : index
    %get3A_0 = arith.constant 0 : index
    %get3A_1 = vector.load %arg3[%get3A, %get3A_0] : memref<1x128xf32, #tpu.memory_space<vmem>>, vector<1x128xf32>
    %get3A_2 = vector.shape_cast %get3A_1 : vector<1x128xf32> to vector<128xf32>
    %broadcast_in_dim3A = vector.shape_cast %get3A_2 : vector<128xf32> to vector<1x128xf32>
    %get3A_3 = arith.constant 0 : index
    %get3A_4 = arith.constant 0 : index
    %get3A_5 = arith.constant 0 : index
    %get3A_6 = arith.constant 0 : index
    %get3A_7 = vector.load %arg1[%get3A_3, %get3A_4, %get3A_5, %get3A_6] : memref<2x2x1000x128xf32, #tpu.memory_space<vmem>>, vector<1x1x1000x128xf32>
    %get3A_8 = vector.shape_cast %get3A_7 : vector<1x1x1000x128xf32> to vector<1000x128xf32>
    %get3A_9 = arith.constant 1 : index
    %get3A_10 = arith.constant 0 : index
    %get3A_11 = arith.constant 0 : index
    %get3A_12 = arith.constant 0 : index
    %get3A_13 = vector.load %arg1[%get3A_9, %get3A_10, %get3A_11, %get3A_12] : memref<2x2x1000x128xf32, #tpu.memory_space<vmem>>, vector<1x1x1000x128xf32>
    %get3A_14 = vector.shape_cast %get3A_13 : vector<1x1x1000x128xf32> to vector<1000x128xf32>
    %add3A = arith.addf %get3A_8, %get3A_14 : vector<1000x128xf32>
    %get3A_15 = arith.constant 0 : index
    %get3A_16 = arith.constant 0 : index
    %get3A_17 = vector.load %arg2[%get3A_15, %get3A_16] : memref<256x128xf32, #tpu.memory_space<vmem>>, vector<128x128xf32>
    %dot_general3A = arith.constant dense<0.000000e+00> : vector<1000x128xf32>
    %dot_general3A_18 = tpu.matmul %add3A, %get3A_17, %dot_general3A {dimension_numbers = #tpu.dot_dimension_numbers<[1], [0], [0], [1], [0, 0, 1, 1], [], []>, transpose_lhs_hint = false} : vector<1000x128xf32>, vector<128x128xf32>, vector<1000x128xf32> -> vector<1000x128xf32>
    %add3A_19 = vector.broadcast %broadcast_in_dim3A : vector<1x128xf32> to vector<1000x128xf32>
    %add3A_20 = arith.addf %add3A_19, %dot_general3A_18 : vector<1000x128xf32>
    %get3A_21 = arith.constant 0 : index
    %get3A_22 = arith.constant 1 : index
    %get3A_23 = arith.constant 0 : index
    %get3A_24 = arith.constant 0 : index
    %get3A_25 = vector.load %arg1[%get3A_21, %get3A_22, %get3A_23, %get3A_24] : memref<2x2x1000x128xf32, #tpu.memory_space<vmem>>, vector<1x1x1000x128xf32>
    %get3A_26 = vector.shape_cast %get3A_25 : vector<1x1x1000x128xf32> to vector<1000x128xf32>
    %get3A_27 = arith.constant 1 : index
    %get3A_28 = arith.constant 1 : index
    %get3A_29 = arith.constant 0 : index
    %get3A_30 = arith.constant 0 : index
    %get3A_31 = vector.load %arg1[%get3A_27, %get3A_28, %get3A_29, %get3A_30] : memref<2x2x1000x128xf32, #tpu.memory_space<vmem>>, vector<1x1x1000x128xf32>
    %get3A_32 = vector.shape_cast %get3A_31 : vector<1x1x1000x128xf32> to vector<1000x128xf32>
    %add3A_33 = arith.addf %get3A_26, %get3A_32 : vector<1000x128xf32>
    %get3A_34 = arith.constant 128 : index
    %get3A_35 = arith.constant 0 : index
    %get3A_36 = vector.load %arg2[%get3A_34, %get3A_35] : memref<256x128xf32, #tpu.memory_space<vmem>>, vector<128x128xf32>
    %dot_general3A_37 = arith.constant dense<0.000000e+00> : vector<1000x128xf32>
    %dot_general3A_38 = tpu.matmul %add3A_33, %get3A_36, %dot_general3A_37 {dimension_numbers = #tpu.dot_dimension_numbers<[1], [0], [0], [1], [0, 0, 1, 1], [], []>, transpose_lhs_hint = false} : vector<1000x128xf32>, vector<128x128xf32>, vector<1000x128xf32> -> vector<1000x128xf32>
    %add3A_39 = arith.addf %add3A_20, %dot_general3A_38 : vector<1000x128xf32>
    %swap3A = arith.constant 0 : index
    %swap3A_40 = arith.constant 0 : index
    %swap3A_41 = vector.load %arg4[%swap3A, %swap3A_40] : memref<1000x128xf32, #tpu.memory_space<vmem>>, vector<1000x128xf32>
    tpu.vector_store %arg4[%swap3A, %swap3A_40], %add3A_39 {strides = array<i32>} : memref<1000x128xf32, #tpu.memory_space<vmem>>, vector<1000x128xf32>,
    return
  }
  func.func @transform_0(%arg0: i32) -> (i32, i32, i32, i32) {
    %c0_i32 = arith.constant 0 : i32
    %c0_i32_0 = arith.constant 0 : i32
    %c0_i32_1 = arith.constant 0 : i32
    %c0_i32_2 = arith.constant 0 : i32
    return %c0_i32, %c0_i32_0, %arg0, %c0_i32_1 : i32, i32, i32, i32
  }
  func.func @transform_1(%arg0: i32) -> (i32, i32) {
    %c0_i32 = arith.constant 0 : i32
    %c0_i32_0 = arith.constant 0 : i32
    %c0_i32_1 = arith.constant 0 : i32
    return %c0_i32, %c0_i32_0 : i32, i32
  }
  func.func @transform_2(%arg0: i32) -> (i32, i32) {
    %c0_i32 = arith.constant 0 : i32
    %c0_i32_0 = arith.constant 0 : i32
    %c0_i32_1 = arith.constant 0 : i32
    return %c0_i32, %c0_i32_0 : i32, i32
  }
  func.func @transform_3(%arg0: i32) -> (i32, i32) {
    %c0_i32 = arith.constant 0 : i32
    %c0_i32_0 = arith.constant 0 : i32
    return %arg0, %c0_i32 : i32, i32
  }
}

</mosaic_0001>

<sc_bundles>
// kernel: kernel.12.cloned.1.call-start
scs
__scs_entry_jumppad:
0x0: {  	(pc) =	sbr.rel $0x88, $3  }
0x1: {  	(tag) =	ssettag $0x0;
	lr =	simm.s32 $0x1  }
0x2: {  	[smem:$0x3F96] =	sst lr;
	_ =	strace $0xD0000000  }
0x3: {  	_ = 	snop  }
0x4: {  	_ = 	snop  }
0x5: {  	_ = 	snop  }
0x6: {  	_ = 	snop  }
0x7: {  	_ = 	snop  }
__scs_overlays_trampoline_lowered:
0x8: {  	[smem:$0x3FA5] =	sst s0  }
0x9: {  	[smem:$0x3FA6] =	sst s1  }
0xa: {  	[smem:$0x3FA7] =	sst s2  }
0xb: {  	[smem:$0x3FA8] =	sst s3  }
0xc: {  	[smem:$0x3FA9] =	sst s4  }
0xd: {  	[smem:$0x3FAA] =	sst s5  }
0xe: {  	[smem:$0x3FAB] =	sst s6  }
0xf: {  	[smem:$0x3FAC] =	sst s7  }
0x10: {  	[smem:$0x3FAD] =	sst s8  }
0x11: {  	[smem:$0x3FAE] =	sst s9;
	s0 =	simm.s32 @!p0 $0x0  }
0x12: {  	s1 =	sld [smem:$0x3F94];
	s0 =	simm.s32 @p0 $0x1  }
0x13: {  	[smem:$0x3FAF] =	sst s0;
	s0 =	simm.s32 @!p1 $0x0  }
0x14: {  	s2 =	sld [smem:$0x3F93];
	s0 =	simm.s32 @p1 $0x1  }
0x15: {  	[smem:$0x3FB0] =	sst s0;
	s0 =	simm.s32 @!p2 $0x0  }
0x16: {  	s3 =	sld [smem:$0x3FDB];
	s0 =	simm.s32 @p2 $0x1  }
0x17: {  	s4 =	simm.s32 $0x1BF5;
	[smem:$0x3FB2] =	sst s0  }
0x18: {  	s0 =	sld [smem:$0x3F95];
	_ =	swait.ge [sflag:s4], $0x0  }
0x19: {  	s7 =	sld [smem:$0x3F96]  }
0x1a: {  	s8 =	sadd.s32 $0xFFFFE003, lr  }
0x1b: {  	s9 =	sadd.s32 $0xFFFFFEF7, lr;
	s5 =	simm.s32 $0xFFFFFFFF;
	p2 =	slt.u32 s8, $0xFFFFF086  }
0x1c: {  	p1 =	slt.u32 s9, $0xF7A;
	s5 =	simm.s32 @!p2 $0x0  }
0x1d: {  	s5 =	simm.s32 @p1 $0x1;
	p0 =	seq.s32 s7, s2  }
0x1e: {  	s7 =	smul.u32 @!p0 $0xF7A, s2;
	p2 =	seq.s32 @!p0 s5, $0x0  }
0x1f: {  	s9 =	smul.u32 $0xF7A, s1;
	s8 =	simm.s32 @!p0 $0x1BF5;
	p2 =	por !p2, p0  }
0x20: {  	[sflag:s8] =	ssyncset.s32 @!p0 $0xFFFFF086;
	s6 =	sadd.s32 @!p0 s3, s7;
	s7 =	simm.s32 @!p0 $0x108  }
0x21: {  	s3 =	sadd.s32 s3, s9;
	s6 =	sadd.s32 @!p0 $0x88, s6;
	s7 =	simm.s32 @p2 $0x1082  }
0x22: {  	[simem:s7], [sflag:s8] =	dma.local @!p0 [hbm:s6], $0xF7A  }
0x23: {  	s9 =	sor.u32 $0xD0000000, s2;
	s6 =	simm.s32 $0x108;
	_ =	swait.ge @!p0 [sflag:s8], $0x0  }
0x24: {  	s3 =	sadd.s32 $0x88, s3;
	s6 =	simm.s32 @!p1 $0x1082;
	[sflag:s4] =	ssyncset.s32 $0xFFFFF086  }
0x25: {  	[simem:s6], [sflag:s4] =	dma.local [hbm:s3], $0xF7A  }
0x26: {  	[smem:$0x3F96] =	sst s1;
	(tag) =	ssettag s2;
	_ =	strace s9  }
0x27: {  	s1 =	sld [smem:$0x3FA6]  }
0x28: {  	s2 =	sld [smem:$0x3FA7]  }
0x29: {  	s4 =	sld [smem:$0x3FA9]  }
0x2a: {  	p0 =	seq.s32 s5, $0x0;
	s5 =	sld [smem:$0x3FAA]  }
0x2b: {  	s6 =	sld [smem:$0x3FAB]  }
0x2c: {  	s7 =	sld [smem:$0x3FAC]  }
0x2d: {  	s3 =	simm.s32 $0x108;
	s8 =	sld [smem:$0x3FAD]  }
0x2e: {  	s3 =	simm.s32 @!p0 $0x1082;
	s9 =	sld [smem:$0x3FAE]  }
0x2f: {  	lr =	sadd.s32 s0, s3;
	s0 =	sld [smem:$0x3FA5]  }
0x30: {  	s3 =	sld [smem:$0x3FA8]  }
0x31: {  	[smem:$0x3FB1] =	sst s10  }
0x32: {  	s10 =	sld [smem:$0x3FAF];
	_ =	sdelay $0x3  }
0x33: {  	p0 =	seq.s32 s10, $0x1;
	s10 =	sld [smem:$0x3FB1];
	_ =	sdelay $0x3  }
0x34: {  	[smem:$0x3FB1] =	sst s10  }
0x35: {  	s10 =	sld [smem:$0x3FB0];
	_ =	sdelay $0x3  }
0x36: {  	p1 =	seq.s32 s10, $0x1;
	s10 =	sld [smem:$0x3FB1];
	_ =	sdelay $0x3  }
0x37: {  	[smem:$0x3FB1] =	sst s10  }
0x38: {  	s10 =	sld [smem:$0x3FB2]  }
0x39: {  	_ = 	snop;
	(pc) =	sbr.ind lr, $3  }
0x3a: {  	_ = 	snop  }
0x3b: {  	_ = 	snop  }
0x3c: {  	p2 =	seq.s32 s10, $0x1;
	s10 =	sld [smem:$0x3FB1]  }
0x3d: {  	_ =	shalt  }
0x3e: {  	_ =	shalt  }
0x3f: {  	_ =	shalt  }
0x40: {  	_ =	shalt  }
0x41: {  	_ =	shalt  }
0x42: {  	_ =	shalt  }
0x43: {  	_ =	shalt  }
0x44: {  	_ =	shalt  }
0x45: {  	_ =	shalt  }
0x46: {  	_ =	shalt  }
0x47: {  	_ =	shalt  }
0x48: {  	_ =	shalt  }
0x49: {  	_ =	shalt  }
0x4a: {  	_ =	shalt  }
0x4b: {  	_ =	shalt  }
0x4c: {  	_ =	shalt  }
0x4d: {  	_ =	shalt  }
0x4e: {  	_ =	shalt  }
0x4f: {  	_ =	shalt  }
0x50: {  	_ =	shalt  }
0x51: {  	_ =	shalt  }
0x52: {  	_ =	shalt  }
0x53: {  	_ =	shalt  }
0x54: {  	_ =	shalt  }
0x55: {  	_ =	shalt  }
0x56: {  	_ =	shalt  }
0x57: {  	_ =	shalt  }
0x58: {  	_ =	shalt  }
0x59: {  	_ =	shalt  }
0x5a: {  	_ =	shalt  }
0x5b: {  	_ =	shalt  }
0x5c: {  	_ =	shalt  }
0x5d: {  	_ =	shalt  }
0x5e: {  	_ =	shalt  }
0x5f: {  	_ =	shalt  }
0x60: {  	_ =	shalt  }
0x61: {  	_ =	shalt  }
0x62: {  	_ =	shalt  }
0x63: {  	_ =	shalt  }
0x64: {  	_ =	shalt  }
0x65: {  	_ =	shalt  }
0x66: {  	_ =	shalt  }
0x67: {  	_ =	shalt  }
0x68: {  	_ =	shalt  }
0x69: {  	_ =	shalt  }
0x6a: {  	_ =	shalt  }
0x6b: {  	_ =	shalt  }
0x6c: {  	_ =	shalt  }
0x6d: {  	_ =	shalt  }
0x6e: {  	_ =	shalt  }
0x6f: {  	_ =	shalt  }
0x70: {  	_ =	shalt  }
0x71: {  	_ =	shalt  }
0x72: {  	_ =	shalt  }
0x73: {  	_ =	shalt  }
0x74: {  	_ =	shalt  }
0x75: {  	_ =	shalt  }
0x76: {  	_ =	shalt  }
0x77: {  	_ =	shalt  }
0x78: {  	_ =	shalt  }
0x79: {  	_ =	shalt  }
0x7a: {  	_ =	shalt  }
0x7b: {  	_ =	shalt  }
0x7c: {  	_ =	shalt  }
0x7d: {  	_ =	shalt  }
0x7e: {  	_ =	shalt  }
0x7f: {  	_ =	shalt  }
0x80: {  	_ =	shalt  }
0x81: {  	_ =	shalt  }
0x82: {  	_ =	shalt  }
0x83: {  	_ =	shalt  }
0x84: {  	_ =	shalt  }
0x85: {  	_ =	shalt  }
0x86: {  	_ =	shalt  }
0x87: {  	_ =	shalt  }
.Lfunc_end0:
.L_simem_size_0:
called_computation.1_lowered:
.L_overlay_start_0:
0x88: {  	s2 =	sld [smem:$0x3FD9]  }
0x89: {  	s3 =	sld [smem:$0x3FFE];
	_ =	sdelay $0x1  }
0x8a: {  	s1 =	srdreg.scid  }
0x8b: {  	s0 =	sand.u32 $0x1, s1  }
0x8c: {  	s14 =	sshll.u32 s0, $0xA;
	s2 =	sadd.s32 s3, s2  }
0x8d: {  	s2 =	sadd.s32 s2, s14  }
0x8e: {  	[smem:$0x3FBD] =	sst s2  }
0x8f: {  	_ = 	snop  }
0x90: {  	s2 =	sld [smem:$0x3FD0];
	_ =	sdelay $0x2  }
0x91: {  	s15 =	simm.s32 $0xA;
	s4 =	simm.s32 $0x10  }
0x92: {  	[smem:s4], [sflag:s15] =	dma.local [hbm:s2], $0x1  }
0x93: {  	_ =	swait.eq [sflag:s15], $0x1  }
0x94: {  	[sflag:s15] =	ssyncset.done $0x0  }
0x95: {  	[sflag:s15] =	ssyncadd.s32 $0xFFFFFFFF  }
0x96: {  	s16 =	sld [smem:$0x10];
	(tm) =	ssettm $0x1  }
0x97: {  	s17 =	sld [smem:$0x3FFB];
	_ =	sdelay $0x3  }
0x98: {  	_ =	strace s17  }
0x99: {  	s3 =	sld [smem:$0x3FFC];
	_ =	sdelay $0x3  }
0x9a: {  	_ =	strace s3  }
0x9b: {  	s3 =	sld [smem:$0x3FFD];
	_ =	sdelay $0x3  }
0x9c: {  	_ =	strace s3  }
0x9d: {  	_ =	strace $0x8FFFFFFF  }
0x9e: {  	s18 =	sld [smem:$0x3FDB];
	_ =	sdelay $0x1  }
0x9f: {  	s19 =	simm.s32 $_scs_section_size  }
0xa0: {  	s5 =	simm.s32 $_size__tile_overlayer_lowered;
	s6 =	simm.s32 $_tile_overlayer_lowered  }
0xa1: {  	s22 =	simm.s32 $0x1BFF;
	s21 =	sshll.u32 s6, $0x1;
	s3 =	sadd.s32 s19, s18  }
0xa2: {  	s7 =	simm.s32 $0x0;
	s20 =	sshll.u32 s5, $0x1;
	s5 =	sadd.s32 s21, s3  }
0xa3: {  	[timem:s7], [sflag:s22] =	dma.local [hbm:s5], s20  }
0xa4: {  	_ =	swait.ge [sflag:s22], s20  }
0xa5: {  	s4 =	ssub.s32 $0x0, s20;
	[sflag:s22] =	ssyncset.done $0x0  }
0xa6: {  	[sflag:s22] =	ssyncadd.s32 s4;
	_ =	sdelay $0x1  }
0xa7: {  	s23 =	simm.s32 $0x1B8B  }
0xa8: {  	_ =	swait.ge [sflag:s23], $0x1  }
0xa9: {  	[sflag:s23] =	ssyncset.done $0x0  }
0xaa: {  	s25 =	simm.s32 $0x1B8E;
	s24 =	sld [smem:$0x3FFE];
	[sflag:s23] =	ssyncadd.s32 $0xFFFFFFFF  }
0xab: {  	s26 =	simm.s32 $execute0_lowered;
	[smem:$0x3FD2] =	sst s25  }
0xac: {  	s5 =	sshll.u32 s26, $0x1;
	_ =	strace $0x80000049;
	[dreg:$0x1] =	wrdreg $0xFFFFFFFF  }
0xad: {  	s28 =	simm.s32 $_size_execute0_lowered;
	s3 =	sadd.s32 s3, s5;
	[dreg:$0x0] =	wrdreg $0x0  }
0xae: {  	s5 =	sshll.u32 s28, $0x1;
	[dreg:$0x2] =	wrdreg s3  }
0xaf: {  	[dreg:$0x3] =	wrdreg s5  }
0xb0: {  	[dreg:$0x4] =	wrdreg $0xC0  }
0xb1: {  	_ =	task [dreg:s7], $0x5FFFF  }
0xb2: {  	[dreg:$0x1] =	wrdreg $0xFFFFFFFF  }
0xb3: {  	[dreg:$0x0] =	wrdreg $0x60  }
0xb4: {  	[dreg:$0x2] =	wrdreg s24  }
0xb5: {  	[dreg:$0x3] =	wrdreg s16  }
0xb6: {  	[dreg:$0x4] =	wrdreg $0x0  }
0xb7: {  	[dreg:$0x5] =	wrdreg $0x9  }
0xb8: {  	_ =	task.clear_ibuf [dreg:s7], $0x6FFFF;
	_ =	strace $0x90000049  }
0xb9: {  	s29 =	simm.s32 $0x9;
	_ =	strace $0x8000004B  }
0xba: {  	_ =	swait.ge [sflag:s29], $0x1  }
0xbb: {  	[sflag:s29] =	ssyncadd.s32 $0xFFFFFFFF  }
0xbc: {  	_ =	strace $0x9000004B  }
0xbd: {  	_ =	sfence  }
0xbe: {  	s30 =	sld [smem:$0x0];
	_ =	sdelay $0x2  }
0xbf: {  	s31 =	sshll.u32 s1, $0xD;
	s1 =	sshrl.u32 s1, $0x2  }
0xc0: {  	s3 =	sand.u32 $0x4000, s31;
	s1 =	sadd.s32 s1, s30  }
0xc1: {  	s0 =	sor.u32 s3, s0;
	s1 =	sshll.u32 s1, $0x11  }
0xc2: {  	s0 =	sor.u32 s1, s0  }
0xc3: {  	s0 =	sadd.s32 $0x8F2B, s0  }
0xc4: {  	[sflag:s0] =	ssyncadd.remote.s32 $0x1  }
0xc5: {  	_ =	sfence.sel $0xFFFF  }
0xc6: {  	[dreg:$0x0] =	wrdreg $0xFFFFFFFF;
	(pc) =	sbr.abs _section_cstart, $3  }
0xc7: {  	[dreg:$0x1] =	wrdreg $0xFFFFFFFF  }
0xc8: {  	_ =	task.clear_ibuf [dreg:s7], $0x2FFFF;
	_ =	strace $0x9FFFFFFF  }
0xc9: {  	(tm) =	ssettm $0x7FFFFFFF  }
tec
execute0_lowered:
.L_overlay_start_1:
0x0: {  	(tag) =	ssettag $0x1  }
0x1: {  	s10 =	rddreg [dreg:$0x0]  }
0x2: {  	s1 =	rddreg [dreg:$0x1]  }
0x3: {  	s3 =	rddreg [dreg:$0x2]  }
0x4: {  	s0 =	rddreg [dreg:$0x3]  }
0x5: {  	s4 =	simm.s32 $0x0;
	s2 =	stileid.u32;
	s5 =	srdreg.scid  }
0x6: {  	s18 =	simm.s32 $0x13C40;
	s19 =	simm.s32 $0x13CC0;
	s20 =	simm.s32 $0x80  }
0x7: {  	s21 =	simm.s32 $0x13D40;
	s22 =	simm.s32 $0x17D40;
	s23 =	simm.s32 $0x1  }
0x8: {  	s24 =	simm.s32 $0x2;
	[smem:$0x7FF] =	sst s4;
	s12 =	smul.u32 $0x278, s2  }
0x9: {  	s11 =	sand.u32 $0x1, s5;
	s5 =	sadd.s32 $0x181A00, s10;
	s7 =	sadd.s32 $0x15A800, s10  }
0xa: {  	s6 =	sadd.s32 $0x1E00, s10;
	s14 =	smul.u32 $0x2780, s2;
	s8 =	sadd.s32 $0x150800, s10  }
0xb: {  	s9 =	sadd.s32 $0x155800, s10;
	s16 =	smul.u32 $0x4F000, s2;
	s31 =	sshll.u32 s2, $0x6  }
0xc: {  	_ =	strace $0x8000004A;
	s13 =	smul.u32 $0x4F00, s11;
	s28 =	ssub.s32 $0x2, s11  }
0xd: {  	s11 =	sshll.u32 s11, $0x4;
	s26 =	sadd.s32 s14, s10;
	s15 =	sshrl.u32 s28, $0x1  }
0xe: {  	s29 =	sor.u32 s2, s11;
	s30 =	sshrl.u32 s16, $0x2;
	s12 =	sadd.s32 s12, s13  }
0xf: {  	s15 =	ssub.s32 s28, s15;
	s16 =	sadd.s32 s30, s3;
	s11 =	sadd.s32 $0x8B000, s26  }
0x10: {  	s12 =	sshll.u32 s12, $0x4;
	s15 =	smax.u32 s15, $0x1;
	s16 =	sshrl.u32 s16, $0x3  }
0x11: {  	s17 =	sadd.s32 s12, s10;
	s10 =	smul.u32 $0x1400, s29;
	s12 =	sor.u32 $0x1C03, s31  }
0x12: {  	s13 =	sadd.s32 $0xB2800, s17;
	s14 =	sadd.s32 $0xDA000, s17;
	s17 =	simm.s32 $0x3  }
.LBB2_1:
0x13: {  	[spmem:s16], [sflag:s12] =	dma.local [hbm:s11], $0x2780  }
0x14: {  	_ =	swait.ge [sflag:s17], $0x2780  }
0x15: {  	[sflag:s17] =	ssyncset.done $0x0  }
0x16: {  	[sflag:s17] =	ssyncadd.s32 $0xFFFFD880  }
0x17: {  	s25 =	simm.s32 $0x0;
	[bflag:$0x0] =	sbarrier.arrive $0xFFFF  }
.LBB2_2:
0x18: {  	s26 =	sshll.u32 s25, $0x7  }
0x19: {  	s26 =	sadd.s32 s10, s26  }
0x1a: {  	s26 =	sshrl.u32 s26, $0x3  }
0x1b: {  	s29 =	simm.s32 $0x0;
	s28 =	sadd.s32 s8, s26  }
0x1c: {  	[tilespmem:s18], [sflag:$0x3] =	stream.linear.gather [hbm4b:s28+s29], $0x80, $0x38;
	[tilespmem:$0x1BD40] =	vst v63  }
0x1d: {  	_ =	swait.ge [sflag:s17], $0x80  }
0x1e: {  	[sflag:s17] =	ssyncset.done $0x0  }
0x1f: {  	s26 =	sadd.s32 s9, s26;
	[sflag:s17] =	ssyncadd.s32 $0xFFFFFF80  }
0x20: {  	[tilespmem:s19], [sflag:$0x3] =	stream.linear.gather [hbm4b:s26+s29], $0x80, $0x38;
	[tilespmem:$0x1BD40] =	vst v63  }
0x21: {  	_ =	swait.ge [sflag:s17], $0x80  }
0x22: {  	[sflag:s17] =	ssyncset.done $0x0  }
0x23: {  	[sflag:s17] =	ssyncadd.s32 $0xFFFFFF80  }
0x24: {  	[tilespmem:s21], [sflag:$0x1] =	stream.indirect.gather [hbm4b:s6+s20], $0x80, s18, s20, $0xb8;
	[tilespmem:$0x1BD40] =	vst v63  }
0x25: {  	_ = 	snop  }
0x26: {  	[tilespmem:s22], [sflag:$0x2] =	stream.indirect.gather [hbm4b:s5+s20], $0x80, s19, s20, $0xb8;
	[tilespmem:$0x1BD40] =	vst v63  }
0x27: {  	_ =	swait.ge [sflag:s23], $0x4000  }
0x28: {  	[sflag:s23] =	ssyncset.done $0x0  }
0x29: {  	[sflag:s23] =	ssyncadd.s32 $0xFFFFC000  }
0x2a: {  	_ =	swait.ge [sflag:s24], $0x4000  }
0x2b: {  	[sflag:s24] =	ssyncset.done $0x0  }
0x2c: {  	s26 =	simm.s32 $0x0;
	[sflag:s24] =	ssyncadd.s32 $0xFFFFC000  }
0x2d: {  	v6 =	vld [tilespmem:s26+$0x17D40]  }
0x2e: {  	v11 =	vld [tilespmem:s26+$0x17D50]  }
0x2f: {  	v5 =	vld [tilespmem:s26+$0x17D60]  }
0x30: {  	v4 =	vld [tilespmem:s26+$0x17D70]  }
0x31: {  	v3 =	vld [tilespmem:s26+$0x17D80]  }
0x32: {  	v2 =	vld [tilespmem:s26+$0x17D90]  }
0x33: {  	v1 =	vld [tilespmem:s26+$0x17DA0]  }
0x34: {  	v0 =	vld [tilespmem:s26+$0x17DB0]  }
0x35: {  	v12 =	vld [tilespmem:s26+$0x13D40]  }
0x36: {  	v13 =	vld [tilespmem:s26+$0x13D50]  }
0x37: {  	v10 =	vld [tilespmem:s26+$0x13D60]  }
0x38: {  	v9 =	vld [tilespmem:s26+$0x13D70]  }
0x39: {  	v8 =	vld [tilespmem:s26+$0x13D80]  }
0x3a: {  	v7 =	vld [tilespmem:s26+$0x13D90];
	v12 =	vsub.f32 v12, v6  }
0x3b: {  	s28 =	simm.s32 $0x200;
	v11 =	vsub.f32 v13, v11;
	v6 =	vld [tilespmem:s26+$0x13DA0]  }
.LBB2_3:
0x3c: {  	s29 =	sshra.s32 s28, $0x2;
	p0 =	sne.s32 s28, $0xFE00;
	v12 =	vmax.f32 v12, $0.0e+00;
	v5 =	vsub.f32 v10, v5;
	v10 =	vld [tilespmem:s26+$0x13DB0]  }
0x3d: {  	v13 =	vld [tilespmem:s29+$0x17D40];
	[tilespmem:s26+$0x13D40] =	vst v12;
	v11 =	vmax.f32 v11, $0.0e+00;
	v4 =	vsub.f32 v9, v4  }
0x3e: {  	v14 =	vld [tilespmem:s29+$0x17D50];
	[tilespmem:s26+$0x13D50] =	vst v11;
	v9 =	vmax.f32 v5, $0.0e+00;
	v3 =	vsub.f32 v8, v3  }
0x3f: {  	v5 =	vld [tilespmem:s29+$0x17D60];
	[tilespmem:s26+$0x13D60] =	vst v9;
	v8 =	vmax.f32 v4, $0.0e+00;
	v2 =	vsub.f32 v7, v2  }
0x40: {  	v4 =	vld [tilespmem:s29+$0x17D70];
	[tilespmem:s26+$0x13D70] =	vst v8;
	v7 =	vmax.f32 v3, $0.0e+00;
	v1 =	vsub.f32 v6, v1  }
0x41: {  	v3 =	vld [tilespmem:s29+$0x17D80];
	[tilespmem:s26+$0x13D80] =	vst v7;
	v6 =	vmax.f32 v2, $0.0e+00;
	v0 =	vsub.f32 v10, v0  }
0x42: {  	v2 =	vld [tilespmem:s29+$0x17D90];
	[tilespmem:s26+$0x13D90] =	vst v6;
	v6 =	vmax.f32 v1, $0.0e+00  }
0x43: {  	v1 =	vld [tilespmem:s29+$0x17DA0];
	[tilespmem:s26+$0x13DA0] =	vst v6;
	v6 =	vmax.f32 v0, $0.0e+00  }
0x44: {  	v0 =	vld [tilespmem:s29+$0x17DB0];
	[tilespmem:s26+$0x13DB0] =	vst v6;
	s26 =	smov.u32 s29  }
0x45: {  	v6 =	vld [tilespmem:s26+$0x13D40]  }
0x46: {  	v11 =	vld [tilespmem:s26+$0x13D50]  }
.Ltmp0:
0x47: {  	v10 =	vld [tilespmem:s26+$0x13D60];
	(pc) =	sbr.rel @p0 .LBB2_3-.Ltmp0, $4  }
0x48: {  	v9 =	vld [tilespmem:s26+$0x13D70]  }
0x49: {  	v8 =	vld [tilespmem:s26+$0x13D80]  }
0x4a: {  	v12 =	vsub.f32 v6, v13;
	v7 =	vld [tilespmem:s26+$0x13D90]  }
0x4b: {  	s28 =	sadd.s32 $0x200, s28;
	v11 =	vsub.f32 v11, v14;
	v6 =	vld [tilespmem:s26+$0x13DA0]  }
0x4c: {  	v12 =	vmax.f32 v12, $0.0e+00;
	v5 =	vsub.f32 v10, v5;
	v63 =	vld [tilespmem:s26+$0x13DB0]  }
0x4d: {  	[tilespmem:s26+$0x13D40] =	vst v12;
	v11 =	vmax.f32 v11, $0.0e+00;
	v4 =	vsub.f32 v9, v4  }
0x4e: {  	[tilespmem:s26+$0x13D50] =	vst v11;
	v5 =	vmax.f32 v5, $0.0e+00;
	v3 =	vsub.f32 v8, v3  }
0x4f: {  	[tilespmem:s26+$0x13D60] =	vst v5;
	v4 =	vmax.f32 v4, $0.0e+00;
	v2 =	vsub.f32 v7, v2  }
0x50: {  	[tilespmem:s26+$0x13D70] =	vst v4;
	v3 =	vmax.f32 v3, $0.0e+00;
	v1 =	vsub.f32 v6, v1  }
0x51: {  	[tilespmem:s26+$0x13D80] =	vst v3;
	v2 =	vmax.f32 v2, $0.0e+00;
	v0 =	vsub.f32 v63, v0  }
0x52: {  	s25 =	sadd.s32 $0x1, s25;
	[tilespmem:s26+$0x13D90] =	vst v2;
	v1 =	vmax.f32 v1, $0.0e+00  }
0x53: {  	p0 =	sne.s32 s25, $0x28;
	[tilespmem:s26+$0x13DA0] =	vst v1;
	v0 =	vmax.f32 v0, $0.0e+00  }
.Ltmp1:
0x54: {  	[tilespmem:s26+$0x13DB0] =	vst v0;
	(pc) =	sbr.rel @p0 .LBB2_2-.Ltmp1, $4  }
0x55: {  	[spmem:s3] =	stream.indirect.scatter.add.f32 [tilespmem:s21], [sflag:$0x3], $0x80, s19, s20, $0xb8;
	[tilespmem:$0x1BD40] =	vst v63  }
0x56: {  	_ =	swait.ge [sflag:s17], $0x4000  }
0x57: {  	[sflag:s17] =	ssyncset.done $0x0  }
0x58: {  	[sflag:s17] =	ssyncadd.s32 $0xFFFFC000  }
0x59: {  	[bflag:$0x0] =	sbarrier.arrive $0xFFFF  }
0x5a: {  	[hbm:s13], [sflag:s12] =	dma.local [spmem:s16], $0x2780  }
0x5b: {  	_ =	swait.ge [sflag:s17], $0x2780  }
0x5c: {  	[sflag:s17] =	ssyncset.done $0x0  }
0x5d: {  	[sflag:s17] =	ssyncadd.s32 $0xFFFFD880  }
0x5e: {  	[bflag:$0x0] =	sbarrier.arrive $0xFFFF  }
0x5f: {  	[spmem:s16], [sflag:s12] =	dma.local [hbm:s11], $0x2780  }
0x60: {  	_ =	swait.ge [sflag:s17], $0x2780  }
0x61: {  	[sflag:s17] =	ssyncset.done $0x0  }
0x62: {  	[sflag:s17] =	ssyncadd.s32 $0xFFFFD880  }
0x63: {  	s25 =	simm.s32 $0x0;
	s26 =	simm.s32 $0x0;
	[bflag:$0x0] =	sbarrier.arrive $0xFFFF  }
.LBB2_6:
0x64: {  	s28 =	sshll.u32 s26, $0x7  }
0x65: {  	s28 =	sadd.s32 s10, s28  }
0x66: {  	s28 =	sshrl.u32 s28, $0x3  }
0x67: {  	s29 =	sadd.s32 s8, s28  }
0x68: {  	[tilespmem:s18], [sflag:$0x3] =	stream.linear.gather [hbm4b:s29+s25], $0x80, $0x38;
	[tilespmem:$0x1BD40] =	vst v63  }
0x69: {  	_ =	swait.ge [sflag:s17], $0x80  }
0x6a: {  	[sflag:s17] =	ssyncset.done $0x0  }
0x6b: {  	s28 =	sadd.s32 s9, s28;
	[sflag:s17] =	ssyncadd.s32 $0xFFFFFF80  }
0x6c: {  	[tilespmem:s19], [sflag:$0x3] =	stream.linear.gather [hbm4b:s28+s25], $0x80, $0x38;
	[tilespmem:$0x1BD40] =	vst v63  }
0x6d: {  	_ =	swait.ge [sflag:s17], $0x80  }
0x6e: {  	[sflag:s17] =	ssyncset.done $0x0  }
0x6f: {  	[sflag:s17] =	ssyncadd.s32 $0xFFFFFF80  }
0x70: {  	[tilespmem:s21], [sflag:$0x1] =	stream.indirect.gather [hbm4b:s1+s20], $0x80, s18, s20, $0xb8;
	[tilespmem:$0x1BD40] =	vst v63  }
0x71: {  	_ = 	snop  }
0x72: {  	[tilespmem:s22], [sflag:$0x2] =	stream.indirect.gather [hbm4b:s7+s20], $0x80, s19, s20, $0xb8;
	[tilespmem:$0x1BD40] =	vst v63  }
0x73: {  	_ =	swait.ge [sflag:s23], $0x4000  }
0x74: {  	[sflag:s23] =	ssyncset.done $0x0  }
0x75: {  	[sflag:s23] =	ssyncadd.s32 $0xFFFFC000  }
0x76: {  	_ =	swait.ge [sflag:s24], $0x4000  }
0x77: {  	[sflag:s24] =	ssyncset.done $0x0  }
0x78: {  	s28 =	simm.s32 $0x0;
	[sflag:s24] =	ssyncadd.s32 $0xFFFFC000  }
0x79: {  	v6 =	vld [tilespmem:s28+$0x17D40]  }
0x7a: {  	v11 =	vld [tilespmem:s28+$0x17D50]  }
0x7b: {  	v5 =	vld [tilespmem:s28+$0x17D60]  }
0x7c: {  	v4 =	vld [tilespmem:s28+$0x17D70]  }
0x7d: {  	v3 =	vld [tilespmem:s28+$0x17D80]  }
0x7e: {  	v2 =	vld [tilespmem:s28+$0x17D90]  }
0x7f: {  	v1 =	vld [tilespmem:s28+$0x17DA0]  }
0x80: {  	v0 =	vld [tilespmem:s28+$0x17DB0]  }
0x81: {  	v12 =	vld [tilespmem:s28+$0x13D40]  }
0x82: {  	v13 =	vld [tilespmem:s28+$0x13D50]  }
0x83: {  	v10 =	vld [tilespmem:s28+$0x13D60]  }
0x84: {  	v9 =	vld [tilespmem:s28+$0x13D70]  }
0x85: {  	v8 =	vld [tilespmem:s28+$0x13D80]  }
0x86: {  	v7 =	vld [tilespmem:s28+$0x13D90];
	v12 =	vsub.f32 v12, v6  }
0x87: {  	s29 =	simm.s32 $0x200;
	v11 =	vsub.f32 v13, v11;
	v6 =	vld [tilespmem:s28+$0x13DA0]  }
.LBB2_7:
0x88: {  	s30 =	sshra.s32 s29, $0x2;
	p0 =	sne.s32 s29, $0xFE00;
	v12 =	vmax.f32 v12, $0.0e+00;
	v5 =	vsub.f32 v10, v5;
	v10 =	vld [tilespmem:s28+$0x13DB0]  }
0x89: {  	v13 =	vld [tilespmem:s30+$0x17D40];
	[tilespmem:s28+$0x13D40] =	vst v12;
	v11 =	vmax.f32 v11, $0.0e+00;
	v4 =	vsub.f32 v9, v4  }
0x8a: {  	v14 =	vld [tilespmem:s30+$0x17D50];
	[tilespmem:s28+$0x13D50] =	vst v11;
	v9 =	vmax.f32 v5, $0.0e+00;
	v3 =	vsub.f32 v8, v3  }
0x8b: {  	v5 =	vld [tilespmem:s30+$0x17D60];
	[tilespmem:s28+$0x13D60] =	vst v9;
	v8 =	vmax.f32 v4, $0.0e+00;
	v2 =	vsub.f32 v7, v2  }
0x8c: {  	v4 =	vld [tilespmem:s30+$0x17D70];
	[tilespmem:s28+$0x13D70] =	vst v8;
	v7 =	vmax.f32 v3, $0.0e+00;
	v1 =	vsub.f32 v6, v1  }
0x8d: {  	v3 =	vld [tilespmem:s30+$0x17D80];
	[tilespmem:s28+$0x13D80] =	vst v7;
	v6 =	vmax.f32 v2, $0.0e+00;
	v0 =	vsub.f32 v10, v0  }
0x8e: {  	v2 =	vld [tilespmem:s30+$0x17D90];
	[tilespmem:s28+$0x13D90] =	vst v6;
	v6 =	vmax.f32 v1, $0.0e+00  }
0x8f: {  	v1 =	vld [tilespmem:s30+$0x17DA0];
	[tilespmem:s28+$0x13DA0] =	vst v6;
	v6 =	vmax.f32 v0, $0.0e+00  }
0x90: {  	v0 =	vld [tilespmem:s30+$0x17DB0];
	[tilespmem:s28+$0x13DB0] =	vst v6;
	s28 =	smov.u32 s30  }
0x91: {  	v6 =	vld [tilespmem:s28+$0x13D40]  }
0x92: {  	v11 =	vld [tilespmem:s28+$0x13D50]  }
.Ltmp2:
0x93: {  	v10 =	vld [tilespmem:s28+$0x13D60];
	(pc) =	sbr.rel @p0 .LBB2_7-.Ltmp2, $4  }
0x94: {  	v9 =	vld [tilespmem:s28+$0x13D70]  }
0x95: {  	v8 =	vld [tilespmem:s28+$0x13D80]  }
0x96: {  	v12 =	vsub.f32 v6, v13;
	v7 =	vld [tilespmem:s28+$0x13D90]  }
0x97: {  	s29 =	sadd.s32 $0x200, s29;
	v11 =	vsub.f32 v11, v14;
	v6 =	vld [tilespmem:s28+$0x13DA0]  }
0x98: {  	v12 =	vmax.f32 v12, $0.0e+00;
	v5 =	vsub.f32 v10, v5;
	v63 =	vld [tilespmem:s28+$0x13DB0]  }
0x99: {  	[tilespmem:s28+$0x13D40] =	vst v12;
	v11 =	vmax.f32 v11, $0.0e+00;
	v4 =	vsub.f32 v9, v4  }
0x9a: {  	[tilespmem:s28+$0x13D50] =	vst v11;
	v5 =	vmax.f32 v5, $0.0e+00;
	v3 =	vsub.f32 v8, v3  }
0x9b: {  	[tilespmem:s28+$0x13D60] =	vst v5;
	v4 =	vmax.f32 v4, $0.0e+00;
	v2 =	vsub.f32 v7, v2  }
0x9c: {  	[tilespmem:s28+$0x13D70] =	vst v4;
	v3 =	vmax.f32 v3, $0.0e+00;
	v1 =	vsub.f32 v6, v1  }
0x9d: {  	[tilespmem:s28+$0x13D80] =	vst v3;
	v2 =	vmax.f32 v2, $0.0e+00;
	v0 =	vsub.f32 v63, v0  }
0x9e: {  	s26 =	sadd.s32 $0x1, s26;
	[tilespmem:s28+$0x13D90] =	vst v2;
	v1 =	vmax.f32 v1, $0.0e+00  }
0x9f: {  	p0 =	sne.s32 s26, $0x28;
	[tilespmem:s28+$0x13DA0] =	vst v1;
	v0 =	vmax.f32 v0, $0.0e+00  }
.Ltmp3:
0xa0: {  	[tilespmem:s28+$0x13DB0] =	vst v0;
	(pc) =	sbr.rel @p0 .LBB2_6-.Ltmp3, $4  }
0xa1: {  	[spmem:s3] =	stream.indirect.scatter.add.f32 [tilespmem:s21], [sflag:$0x3], $0x80, s19, s20, $0xb8;
	[tilespmem:$0x1BD40] =	vst v63  }
0xa2: {  	_ =	swait.ge [sflag:s17], $0x4000  }
0xa3: {  	[sflag:s17] =	ssyncset.done $0x0  }
0xa4: {  	[sflag:s17] =	ssyncadd.s32 $0xFFFFC000  }
0xa5: {  	[bflag:$0x0] =	sbarrier.arrive $0xFFFF;
	s4 =	sadd.s32 $0x1, s4  }
0xa6: {  	[hbm:s14], [sflag:s12] =	dma.local [spmem:s16], $0x2780  }
0xa7: {  	p0 =	sne.s32 s4, s15  }
.Ltmp4:
0xa8: {  	_ =	swait.ge [sflag:s17], $0x2780;
	(pc) =	sbr.rel @p0 .LBB2_1-.Ltmp4, $3  }
0xa9: {  	[sflag:s17] =	ssyncset.done $0x0  }
0xaa: {  	[sflag:s17] =	ssyncadd.s32 $0xFFFFD880  }
0xab: {  	[bflag:$0x0] =	sbarrier.arrive $0xFFFF;
	_ =	sdelay $0x1  }
0xac: {  	_ =	sfence.sel $0x180000  }
0xad: {  	[bflag:$0x0] =	sbarrier.arrive $0xFFFF  }
0xae: {  	p0 =	sne.s32 s2, $0x0;
	_ =	strace $0x9000004A  }
0xaf: {  	s0 =	sadd.s32 @!p0 $0x100000, s0;
	[bflag:$0x2] =	sbarrier.arrive $0xFFFF  }
0xb0: {  	[sflag:s0] =	ssyncadd.tile.s32 @!p0 $0x1;
	_ =	shalt  }
.Lfunc_end2:
_tile_overlayer_lowered:
.L_overlay_start_2:
0xb1: {  	(tag) =	ssettag $0x2  }
0xb2: {  	s0 =	rddreg [dreg:$0x0];
	s2 =	stileid.u32  }
0xb3: {  	s1 =	rddreg [dreg:$0x1];
	p0 =	sne.s32 s2, $0x0  }
0xb4: {  	s3 =	rddreg [dreg:$0x2];
	[bflag:$0x3] =	sbarrier.arrive $0xFFFF;
	s2 =	simm.s32 @!p0 $0x1C03  }
0xb5: {  	[timem:s3], [sflag:s2] =	dma.local @!p0 [hbm:s0], s1  }
0xb6: {  	s0 =	simm.s32 @!p0 $0x3  }
0xb7: {  	_ =	swait.ge @!p0 [sflag:s0], s1  }
0xb8: {  	s1 =	ssub.s32 @!p0 $0x0, s1;
	[sflag:s0] =	ssyncset.done @!p0 $0x0  }
0xb9: {  	[sflag:s0] =	ssyncadd.s32 @!p0 s1  }
0xba: {  	[bflag:$0x3] =	sbarrier.arrive $0xFFFF  }
0xbb: {  	_ =	shalt  }

// kernel: kernel.9.cloned.1.call-start
scs
__scs_entry_jumppad:
0x0: {  	(pc) =	sbr.rel $0x88, $3  }
0x1: {  	(tag) =	ssettag $0x0;
	lr =	simm.s32 $0x1  }
0x2: {  	[smem:$0x3F96] =	sst lr;
	_ =	strace $0xD0000000  }
0x3: {  	_ = 	snop  }
0x4: {  	_ = 	snop  }
0x5: {  	_ = 	snop  }
0x6: {  	_ = 	snop  }
0x7: {  	_ = 	snop  }
__scs_overlays_trampoline_lowered:
0x8: {  	[smem:$0x3FA5] =	sst s0  }
0x9: {  	[smem:$0x3FA6] =	sst s1  }
0xa: {  	[smem:$0x3FA7] =	sst s2  }
0xb: {  	[smem:$0x3FA8] =	sst s3  }
0xc: {  	[smem:$0x3FA9] =	sst s4  }
0xd: {  	[smem:$0x3FAA] =	sst s5  }
0xe: {  	[smem:$0x3FAB] =	sst s6  }
0xf: {  	[smem:$0x3FAC] =	sst s7  }
0x10: {  	[smem:$0x3FAD] =	sst s8  }
0x11: {  	[smem:$0x3FAE] =	sst s9;
	s0 =	simm.s32 @!p0 $0x0  }
0x12: {  	s1 =	sld [smem:$0x3F94];
	s0 =	simm.s32 @p0 $0x1  }
0x13: {  	[smem:$0x3FAF] =	sst s0;
	s0 =	simm.s32 @!p1 $0x0  }
0x14: {  	s2 =	sld [smem:$0x3F93];
	s0 =	simm.s32 @p1 $0x1  }
0x15: {  	[smem:$0x3FB0] =	sst s0;
	s0 =	simm.s32 @!p2 $0x0  }
0x16: {  	s3 =	sld [smem:$0x3FDB];
	s0 =	simm.s32 @p2 $0x1  }
0x17: {  	s4 =	simm.s32 $0x1BF5;
	[smem:$0x3FB2] =	sst s0  }
0x18: {  	s0 =	sld [smem:$0x3F95];
	_ =	swait.ge [sflag:s4], $0x0  }
0x19: {  	s7 =	sld [smem:$0x3F96]  }
0x1a: {  	s8 =	sadd.s32 $0xFFFFE003, lr  }
0x1b: {  	s9 =	sadd.s32 $0xFFFFFEF7, lr;
	s5 =	simm.s32 $0xFFFFFFFF;
	p2 =	slt.u32 s8, $0xFFFFF086  }
0x1c: {  	p1 =	slt.u32 s9, $0xF7A;
	s5 =	simm.s32 @!p2 $0x0  }
0x1d: {  	s5 =	simm.s32 @p1 $0x1;
	p0 =	seq.s32 s7, s2  }
0x1e: {  	s7 =	smul.u32 @!p0 $0xF7A, s2;
	p2 =	seq.s32 @!p0 s5, $0x0  }
0x1f: {  	s9 =	smul.u32 $0xF7A, s1;
	s8 =	simm.s32 @!p0 $0x1BF5;
	p2 =	por !p2, p0  }
0x20: {  	[sflag:s8] =	ssyncset.s32 @!p0 $0xFFFFF086;
	s6 =	sadd.s32 @!p0 s3, s7;
	s7 =	simm.s32 @!p0 $0x108  }
0x21: {  	s3 =	sadd.s32 s3, s9;
	s6 =	sadd.s32 @!p0 $0x88, s6;
	s7 =	simm.s32 @p2 $0x1082  }
0x22: {  	[simem:s7], [sflag:s8] =	dma.local @!p0 [hbm:s6], $0xF7A  }
0x23: {  	s9 =	sor.u32 $0xD0000000, s2;
	s6 =	simm.s32 $0x108;
	_ =	swait.ge @!p0 [sflag:s8], $0x0  }
0x24: {  	s3 =	sadd.s32 $0x88, s3;
	s6 =	simm.s32 @!p1 $0x1082;
	[sflag:s4] =	ssyncset.s32 $0xFFFFF086  }
0x25: {  	[simem:s6], [sflag:s4] =	dma.local [hbm:s3], $0xF7A  }
0x26: {  	[smem:$0x3F96] =	sst s1;
	(tag) =	ssettag s2;
	_ =	strace s9  }
0x27: {  	s1 =	sld [smem:$0x3FA6]  }
0x28: {  	s2 =	sld [smem:$0x3FA7]  }
0x29: {  	s4 =	sld [smem:$0x3FA9]  }
0x2a: {  	p0 =	seq.s32 s5, $0x0;
	s5 =	sld [smem:$0x3FAA]  }
0x2b: {  	s6 =	sld [smem:$0x3FAB]  }
0x2c: {  	s7 =	sld [smem:$0x3FAC]  }
0x2d: {  	s3 =	simm.s32 $0x108;
	s8 =	sld [smem:$0x3FAD]  }
0x2e: {  	s3 =	simm.s32 @!p0 $0x1082;
	s9 =	sld [smem:$0x3FAE]  }
0x2f: {  	lr =	sadd.s32 s0, s3;
	s0 =	sld [smem:$0x3FA5]  }
0x30: {  	s3 =	sld [smem:$0x3FA8]  }
0x31: {  	[smem:$0x3FB1] =	sst s10  }
0x32: {  	s10 =	sld [smem:$0x3FAF];
	_ =	sdelay $0x3  }
0x33: {  	p0 =	seq.s32 s10, $0x1;
	s10 =	sld [smem:$0x3FB1];
	_ =	sdelay $0x3  }
0x34: {  	[smem:$0x3FB1] =	sst s10  }
0x35: {  	s10 =	sld [smem:$0x3FB0];
	_ =	sdelay $0x3  }
0x36: {  	p1 =	seq.s32 s10, $0x1;
	s10 =	sld [smem:$0x3FB1];
	_ =	sdelay $0x3  }
0x37: {  	[smem:$0x3FB1] =	sst s10  }
0x38: {  	s10 =	sld [smem:$0x3FB2]  }
0x39: {  	_ = 	snop;
	(pc) =	sbr.ind lr, $3  }
0x3a: {  	_ = 	snop  }
0x3b: {  	_ = 	snop  }
0x3c: {  	p2 =	seq.s32 s10, $0x1;
	s10 =	sld [smem:$0x3FB1]  }
0x3d: {  	_ =	shalt  }
0x3e: {  	_ =	shalt  }
0x3f: {  	_ =	shalt  }
0x40: {  	_ =	shalt  }
0x41: {  	_ =	shalt  }
0x42: {  	_ =	shalt  }
0x43: {  	_ =	shalt  }
0x44: {  	_ =	shalt  }
0x45: {  	_ =	shalt  }
0x46: {  	_ =	shalt  }
0x47: {  	_ =	shalt  }
0x48: {  	_ =	shalt  }
0x49: {  	_ =	shalt  }
0x4a: {  	_ =	shalt  }
0x4b: {  	_ =	shalt  }
0x4c: {  	_ =	shalt  }
0x4d: {  	_ =	shalt  }
0x4e: {  	_ =	shalt  }
0x4f: {  	_ =	shalt  }
0x50: {  	_ =	shalt  }
0x51: {  	_ =	shalt  }
0x52: {  	_ =	shalt  }
0x53: {  	_ =	shalt  }
0x54: {  	_ =	shalt  }
0x55: {  	_ =	shalt  }
0x56: {  	_ =	shalt  }
0x57: {  	_ =	shalt  }
0x58: {  	_ =	shalt  }
0x59: {  	_ =	shalt  }
0x5a: {  	_ =	shalt  }
0x5b: {  	_ =	shalt  }
0x5c: {  	_ =	shalt  }
0x5d: {  	_ =	shalt  }
0x5e: {  	_ =	shalt  }
0x5f: {  	_ =	shalt  }
0x60: {  	_ =	shalt  }
0x61: {  	_ =	shalt  }
0x62: {  	_ =	shalt  }
0x63: {  	_ =	shalt  }
0x64: {  	_ =	shalt  }
0x65: {  	_ =	shalt  }
0x66: {  	_ =	shalt  }
0x67: {  	_ =	shalt  }
0x68: {  	_ =	shalt  }
0x69: {  	_ =	shalt  }
0x6a: {  	_ =	shalt  }
0x6b: {  	_ =	shalt  }
0x6c: {  	_ =	shalt  }
0x6d: {  	_ =	shalt  }
0x6e: {  	_ =	shalt  }
0x6f: {  	_ =	shalt  }
0x70: {  	_ =	shalt  }
0x71: {  	_ =	shalt  }
0x72: {  	_ =	shalt  }
0x73: {  	_ =	shalt  }
0x74: {  	_ =	shalt  }
0x75: {  	_ =	shalt  }
0x76: {  	_ =	shalt  }
0x77: {  	_ =	shalt  }
0x78: {  	_ =	shalt  }
0x79: {  	_ =	shalt  }
0x7a: {  	_ =	shalt  }
0x7b: {  	_ =	shalt  }
0x7c: {  	_ =	shalt  }
0x7d: {  	_ =	shalt  }
0x7e: {  	_ =	shalt  }
0x7f: {  	_ =	shalt  }
0x80: {  	_ =	shalt  }
0x81: {  	_ =	shalt  }
0x82: {  	_ =	shalt  }
0x83: {  	_ =	shalt  }
0x84: {  	_ =	shalt  }
0x85: {  	_ =	shalt  }
0x86: {  	_ =	shalt  }
0x87: {  	_ =	shalt  }
.Lfunc_end0:
.L_simem_size_0:
called_computation_lowered:
.L_overlay_start_0:
0x88: {  	s2 =	sld [smem:$0x3FD9]  }
0x89: {  	s3 =	sld [smem:$0x3FFE];
	_ =	sdelay $0x1  }
0x8a: {  	s1 =	srdreg.scid  }
0x8b: {  	s0 =	sand.u32 $0x1, s1  }
0x8c: {  	s14 =	sshll.u32 s0, $0xA;
	s2 =	sadd.s32 s3, s2  }
0x8d: {  	s2 =	sadd.s32 s2, s14  }
0x8e: {  	[smem:$0x3FBD] =	sst s2  }
0x8f: {  	_ = 	snop  }
0x90: {  	s2 =	sld [smem:$0x3FD0];
	_ =	sdelay $0x2  }
0x91: {  	s15 =	simm.s32 $0xA;
	s4 =	simm.s32 $0x10  }
0x92: {  	[smem:s4], [sflag:s15] =	dma.local [hbm:s2], $0x1  }
0x93: {  	_ =	swait.eq [sflag:s15], $0x1  }
0x94: {  	[sflag:s15] =	ssyncset.done $0x0  }
0x95: {  	[sflag:s15] =	ssyncadd.s32 $0xFFFFFFFF  }
0x96: {  	s16 =	sld [smem:$0x10];
	(tm) =	ssettm $0x1  }
0x97: {  	s17 =	sld [smem:$0x3FFB];
	_ =	sdelay $0x3  }
0x98: {  	_ =	strace s17  }
0x99: {  	s3 =	sld [smem:$0x3FFC];
	_ =	sdelay $0x3  }
0x9a: {  	_ =	strace s3  }
0x9b: {  	s3 =	sld [smem:$0x3FFD];
	_ =	sdelay $0x3  }
0x9c: {  	_ =	strace s3  }
0x9d: {  	_ =	strace $0x8FFFFFFF  }
0x9e: {  	s18 =	sld [smem:$0x3FDB];
	_ =	sdelay $0x1  }
0x9f: {  	s19 =	simm.s32 $_scs_section_size  }
0xa0: {  	s5 =	simm.s32 $_size__tile_overlayer_lowered;
	s6 =	simm.s32 $_tile_overlayer_lowered  }
0xa1: {  	s22 =	simm.s32 $0x1BFF;
	s21 =	sshll.u32 s6, $0x1;
	s3 =	sadd.s32 s19, s18  }
0xa2: {  	s7 =	simm.s32 $0x0;
	s20 =	sshll.u32 s5, $0x1;
	s5 =	sadd.s32 s21, s3  }
0xa3: {  	[timem:s7], [sflag:s22] =	dma.local [hbm:s5], s20  }
0xa4: {  	_ =	swait.ge [sflag:s22], s20  }
0xa5: {  	s4 =	ssub.s32 $0x0, s20;
	[sflag:s22] =	ssyncset.done $0x0  }
0xa6: {  	[sflag:s22] =	ssyncadd.s32 s4;
	_ =	sdelay $0x1  }
0xa7: {  	s23 =	simm.s32 $0x1B8B  }
0xa8: {  	_ =	swait.ge [sflag:s23], $0x1  }
0xa9: {  	[sflag:s23] =	ssyncset.done $0x0  }
0xaa: {  	s25 =	simm.s32 $0x1B8E;
	s24 =	sld [smem:$0x3FFE];
	[sflag:s23] =	ssyncadd.s32 $0xFFFFFFFF  }
0xab: {  	s26 =	simm.s32 $execute0_lowered;
	[smem:$0x3FD2] =	sst s25  }
0xac: {  	s5 =	sshll.u32 s26, $0x1;
	_ =	strace $0x80000046;
	[dreg:$0x1] =	wrdreg $0xFFFFFFFF  }
0xad: {  	s28 =	simm.s32 $_size_execute0_lowered;
	s3 =	sadd.s32 s3, s5;
	[dreg:$0x0] =	wrdreg $0x0  }
0xae: {  	s5 =	sshll.u32 s28, $0x1;
	[dreg:$0x2] =	wrdreg s3  }
0xaf: {  	[dreg:$0x3] =	wrdreg s5  }
0xb0: {  	[dreg:$0x4] =	wrdreg $0xC0  }
0xb1: {  	_ =	task [dreg:s7], $0x5FFFF  }
0xb2: {  	[dreg:$0x1] =	wrdreg $0xFFFFFFFF  }
0xb3: {  	[dreg:$0x0] =	wrdreg $0x60  }
0xb4: {  	[dreg:$0x2] =	wrdreg s24  }
0xb5: {  	[dreg:$0x3] =	wrdreg s16  }
0xb6: {  	[dreg:$0x4] =	wrdreg $0x0  }
0xb7: {  	[dreg:$0x5] =	wrdreg $0x9  }
0xb8: {  	_ =	task.clear_ibuf [dreg:s7], $0x6FFFF;
	_ =	strace $0x90000046  }
0xb9: {  	s29 =	simm.s32 $0x9;
	_ =	strace $0x80000048  }
0xba: {  	_ =	swait.ge [sflag:s29], $0x1  }
0xbb: {  	[sflag:s29] =	ssyncadd.s32 $0xFFFFFFFF  }
0xbc: {  	_ =	strace $0x90000048  }
0xbd: {  	_ =	sfence  }
0xbe: {  	s30 =	sld [smem:$0x0];
	_ =	sdelay $0x2  }
0xbf: {  	s31 =	sshll.u32 s1, $0xD;
	s1 =	sshrl.u32 s1, $0x2  }
0xc0: {  	s3 =	sand.u32 $0x4000, s31;
	s1 =	sadd.s32 s1, s30  }
0xc1: {  	s0 =	sor.u32 s3, s0;
	s1 =	sshll.u32 s1, $0x11  }
0xc2: {  	s0 =	sor.u32 s1, s0  }
0xc3: {  	s0 =	sadd.s32 $0x8F2B, s0  }
0xc4: {  	[sflag:s0] =	ssyncadd.remote.s32 $0x1  }
0xc5: {  	_ =	sfence.sel $0xFFFF  }
0xc6: {  	[dreg:$0x0] =	wrdreg $0xFFFFFFFF;
	(pc) =	sbr.abs _section_cstart, $3  }
0xc7: {  	[dreg:$0x1] =	wrdreg $0xFFFFFFFF  }
0xc8: {  	_ =	task.clear_ibuf [dreg:s7], $0x2FFFF;
	_ =	strace $0x9FFFFFFF  }
0xc9: {  	(tm) =	ssettm $0x7FFFFFFF  }
tec
execute0_lowered:
.L_overlay_start_1:
0x0: {  	(tag) =	ssettag $0x1  }
0x1: {  	s10 =	rddreg [dreg:$0x0]  }
0x2: {  	s2 =	rddreg [dreg:$0x1]  }
0x3: {  	s3 =	rddreg [dreg:$0x2]  }
0x4: {  	s0 =	rddreg [dreg:$0x3]  }
0x5: {  	s4 =	simm.s32 $0x0;
	s1 =	stileid.u32;
	s5 =	srdreg.scid  }
0x6: {  	s18 =	simm.s32 $0x13C40;
	s19 =	simm.s32 $0x13CC0;
	s20 =	simm.s32 $0x80  }
0x7: {  	s21 =	simm.s32 $0x13D40;
	s22 =	simm.s32 $0x17D40;
	s23 =	simm.s32 $0x1  }
0x8: {  	s24 =	simm.s32 $0x2;
	[smem:$0x7FF] =	sst s4;
	s11 =	sand.u32 $0x1, s5  }
0x9: {  	s12 =	smul.u32 $0x278, s1;
	s5 =	sadd.s32 $0x29000, s10;
	s6 =	sadd.s32 $0x50200, s10  }
0xa: {  	s7 =	sadd.s32 $0x1E00, s10;
	s14 =	smul.u32 $0x2780, s1;
	s8 =	sadd.s32 $0x77400, s10  }
0xb: {  	s9 =	sadd.s32 $0x81200, s10;
	s16 =	smul.u32 $0x4F000, s1;
	s31 =	sshll.u32 s1, $0x6  }
0xc: {  	_ =	strace $0x80000047;
	s13 =	smul.u32 $0x4F00, s11;
	s28 =	ssub.s32 $0x2, s11  }
0xd: {  	s11 =	sshll.u32 s11, $0x4;
	s26 =	sadd.s32 s14, s10;
	s15 =	sshrl.u32 s28, $0x1  }
0xe: {  	s29 =	sor.u32 s1, s11;
	s30 =	sshrl.u32 s16, $0x2;
	s12 =	sadd.s32 s12, s13  }
0xf: {  	s15 =	ssub.s32 s28, s15;
	s16 =	sadd.s32 s30, s3;
	s11 =	sadd.s32 $0x8B000, s26  }
0x10: {  	s12 =	sshll.u32 s12, $0x4;
	s15 =	smax.u32 s15, $0x1;
	s16 =	sshrl.u32 s16, $0x3  }
0x11: {  	s17 =	sadd.s32 s12, s10;
	s10 =	smul.u32 $0x2780, s29;
	s12 =	sor.u32 $0x1C03, s31  }
0x12: {  	s13 =	sadd.s32 $0xB2800, s17;
	s14 =	sadd.s32 $0xDA000, s17;
	s17 =	simm.s32 $0x3  }
.LBB2_1:
0x13: {  	[spmem:s16], [sflag:s12] =	dma.local [hbm:s11], $0x2780  }
0x14: {  	_ =	swait.ge [sflag:s17], $0x2780  }
0x15: {  	[sflag:s17] =	ssyncset.done $0x0  }
0x16: {  	[sflag:s17] =	ssyncadd.s32 $0xFFFFD880  }
0x17: {  	s25 =	simm.s32 $0x0;
	[bflag:$0x0] =	sbarrier.arrive $0xFFFF  }
.LBB2_2:
0x18: {  	s26 =	sshll.u32 s25, $0x7  }
0x19: {  	s26 =	sadd.s32 s10, s26  }
0x1a: {  	s26 =	sshrl.u32 s26, $0x3  }
0x1b: {  	s29 =	simm.s32 $0x0;
	s28 =	sadd.s32 s8, s26  }
0x1c: {  	[tilespmem:s18], [sflag:$0x3] =	stream.linear.gather [hbm4b:s28+s29], $0x80, $0x38;
	[tilespmem:$0x1BD40] =	vst v63  }
0x1d: {  	_ =	swait.ge [sflag:s17], $0x80  }
0x1e: {  	[sflag:s17] =	ssyncset.done $0x0  }
0x1f: {  	s26 =	sadd.s32 s9, s26;
	[sflag:s17] =	ssyncadd.s32 $0xFFFFFF80  }
0x20: {  	[tilespmem:s19], [sflag:$0x3] =	stream.linear.gather [hbm4b:s26+s29], $0x80, $0x38;
	[tilespmem:$0x1BD40] =	vst v63  }
0x21: {  	_ =	swait.ge [sflag:s17], $0x80  }
0x22: {  	[sflag:s17] =	ssyncset.done $0x0  }
0x23: {  	[sflag:s17] =	ssyncadd.s32 $0xFFFFFF80  }
0x24: {  	[tilespmem:s21], [sflag:$0x1] =	stream.indirect.gather [hbm4b:s5+s20], $0x80, s18, s20, $0xb8;
	[tilespmem:$0x1BD40] =	vst v63  }
0x25: {  	_ = 	snop  }
0x26: {  	[tilespmem:s22], [sflag:$0x2] =	stream.indirect.gather [hbm4b:s7+s20], $0x80, s19, s20, $0xb8;
	[tilespmem:$0x1BD40] =	vst v63  }
0x27: {  	_ =	swait.ge [sflag:s23], $0x4000  }
0x28: {  	[sflag:s23] =	ssyncset.done $0x0  }
0x29: {  	[sflag:s23] =	ssyncadd.s32 $0xFFFFC000  }
0x2a: {  	_ =	swait.ge [sflag:s24], $0x4000  }
0x2b: {  	[sflag:s24] =	ssyncset.done $0x0  }
0x2c: {  	s26 =	simm.s32 $0x0;
	[sflag:s24] =	ssyncadd.s32 $0xFFFFC000  }
0x2d: {  	v6 =	vld [tilespmem:s26+$0x17D40]  }
0x2e: {  	v11 =	vld [tilespmem:s26+$0x17D50]  }
0x2f: {  	v5 =	vld [tilespmem:s26+$0x17D60]  }
0x30: {  	v4 =	vld [tilespmem:s26+$0x17D70]  }
0x31: {  	v3 =	vld [tilespmem:s26+$0x17D80]  }
0x32: {  	v2 =	vld [tilespmem:s26+$0x17D90]  }
0x33: {  	v1 =	vld [tilespmem:s26+$0x17DA0]  }
0x34: {  	v0 =	vld [tilespmem:s26+$0x17DB0]  }
0x35: {  	v12 =	vld [tilespmem:s26+$0x13D40]  }
0x36: {  	v13 =	vld [tilespmem:s26+$0x13D50]  }
0x37: {  	v10 =	vld [tilespmem:s26+$0x13D60]  }
0x38: {  	v9 =	vld [tilespmem:s26+$0x13D70]  }
0x39: {  	v8 =	vld [tilespmem:s26+$0x13D80]  }
0x3a: {  	v7 =	vld [tilespmem:s26+$0x13D90];
	v12 =	vsub.f32 v12, v6  }
0x3b: {  	s28 =	simm.s32 $0x200;
	v11 =	vsub.f32 v13, v11;
	v6 =	vld [tilespmem:s26+$0x13DA0]  }
.LBB2_3:
0x3c: {  	s29 =	sshra.s32 s28, $0x2;
	p0 =	sne.s32 s28, $0xFE00;
	v12 =	vmax.f32 v12, $0.0e+00;
	v5 =	vsub.f32 v10, v5;
	v10 =	vld [tilespmem:s26+$0x13DB0]  }
0x3d: {  	v13 =	vld [tilespmem:s29+$0x17D40];
	[tilespmem:s26+$0x13D40] =	vst v12;
	v11 =	vmax.f32 v11, $0.0e+00;
	v4 =	vsub.f32 v9, v4  }
0x3e: {  	v14 =	vld [tilespmem:s29+$0x17D50];
	[tilespmem:s26+$0x13D50] =	vst v11;
	v9 =	vmax.f32 v5, $0.0e+00;
	v3 =	vsub.f32 v8, v3  }
0x3f: {  	v5 =	vld [tilespmem:s29+$0x17D60];
	[tilespmem:s26+$0x13D60] =	vst v9;
	v8 =	vmax.f32 v4, $0.0e+00;
	v2 =	vsub.f32 v7, v2  }
0x40: {  	v4 =	vld [tilespmem:s29+$0x17D70];
	[tilespmem:s26+$0x13D70] =	vst v8;
	v7 =	vmax.f32 v3, $0.0e+00;
	v1 =	vsub.f32 v6, v1  }
0x41: {  	v3 =	vld [tilespmem:s29+$0x17D80];
	[tilespmem:s26+$0x13D80] =	vst v7;
	v6 =	vmax.f32 v2, $0.0e+00;
	v0 =	vsub.f32 v10, v0  }
0x42: {  	v2 =	vld [tilespmem:s29+$0x17D90];
	[tilespmem:s26+$0x13D90] =	vst v6;
	v6 =	vmax.f32 v1, $0.0e+00  }
0x43: {  	v1 =	vld [tilespmem:s29+$0x17DA0];
	[tilespmem:s26+$0x13DA0] =	vst v6;
	v6 =	vmax.f32 v0, $0.0e+00  }
0x44: {  	v0 =	vld [tilespmem:s29+$0x17DB0];
	[tilespmem:s26+$0x13DB0] =	vst v6;
	s26 =	smov.u32 s29  }
0x45: {  	v6 =	vld [tilespmem:s26+$0x13D40]  }
0x46: {  	v11 =	vld [tilespmem:s26+$0x13D50]  }
.Ltmp0:
0x47: {  	v10 =	vld [tilespmem:s26+$0x13D60];
	(pc) =	sbr.rel @p0 .LBB2_3-.Ltmp0, $4  }
0x48: {  	v9 =	vld [tilespmem:s26+$0x13D70]  }
0x49: {  	v8 =	vld [tilespmem:s26+$0x13D80]  }
0x4a: {  	v12 =	vsub.f32 v6, v13;
	v7 =	vld [tilespmem:s26+$0x13D90]  }
0x4b: {  	s28 =	sadd.s32 $0x200, s28;
	v11 =	vsub.f32 v11, v14;
	v6 =	vld [tilespmem:s26+$0x13DA0]  }
0x4c: {  	v12 =	vmax.f32 v12, $0.0e+00;
	v5 =	vsub.f32 v10, v5;
	v63 =	vld [tilespmem:s26+$0x13DB0]  }
0x4d: {  	[tilespmem:s26+$0x13D40] =	vst v12;
	v11 =	vmax.f32 v11, $0.0e+00;
	v4 =	vsub.f32 v9, v4  }
0x4e: {  	[tilespmem:s26+$0x13D50] =	vst v11;
	v5 =	vmax.f32 v5, $0.0e+00;
	v3 =	vsub.f32 v8, v3  }
0x4f: {  	[tilespmem:s26+$0x13D60] =	vst v5;
	v4 =	vmax.f32 v4, $0.0e+00;
	v2 =	vsub.f32 v7, v2  }
0x50: {  	[tilespmem:s26+$0x13D70] =	vst v4;
	v3 =	vmax.f32 v3, $0.0e+00;
	v1 =	vsub.f32 v6, v1  }
0x51: {  	[tilespmem:s26+$0x13D80] =	vst v3;
	v2 =	vmax.f32 v2, $0.0e+00;
	v0 =	vsub.f32 v63, v0  }
0x52: {  	s25 =	sadd.s32 $0x1, s25;
	[tilespmem:s26+$0x13D90] =	vst v2;
	v1 =	vmax.f32 v1, $0.0e+00  }
0x53: {  	p0 =	sne.s32 s25, $0x4F;
	[tilespmem:s26+$0x13DA0] =	vst v1;
	v0 =	vmax.f32 v0, $0.0e+00  }
.Ltmp1:
0x54: {  	[tilespmem:s26+$0x13DB0] =	vst v0;
	(pc) =	sbr.rel @p0 .LBB2_2-.Ltmp1, $4  }
0x55: {  	[spmem:s3] =	stream.indirect.scatter.add.f32 [tilespmem:s21], [sflag:$0x3], $0x80, s19, s20, $0xb8;
	[tilespmem:$0x1BD40] =	vst v63  }
0x56: {  	_ =	swait.ge [sflag:s17], $0x4000  }
0x57: {  	[sflag:s17] =	ssyncset.done $0x0  }
0x58: {  	[sflag:s17] =	ssyncadd.s32 $0xFFFFC000  }
0x59: {  	[bflag:$0x0] =	sbarrier.arrive $0xFFFF  }
0x5a: {  	[hbm:s13], [sflag:s12] =	dma.local [spmem:s16], $0x2780  }
0x5b: {  	_ =	swait.ge [sflag:s17], $0x2780  }
0x5c: {  	[sflag:s17] =	ssyncset.done $0x0  }
0x5d: {  	[sflag:s17] =	ssyncadd.s32 $0xFFFFD880  }
0x5e: {  	[bflag:$0x0] =	sbarrier.arrive $0xFFFF  }
0x5f: {  	[spmem:s16], [sflag:s12] =	dma.local [hbm:s11], $0x2780  }
0x60: {  	_ =	swait.ge [sflag:s17], $0x2780  }
0x61: {  	[sflag:s17] =	ssyncset.done $0x0  }
0x62: {  	[sflag:s17] =	ssyncadd.s32 $0xFFFFD880  }
0x63: {  	s25 =	simm.s32 $0x0;
	s26 =	simm.s32 $0x0;
	[bflag:$0x0] =	sbarrier.arrive $0xFFFF  }
.LBB2_6:
0x64: {  	s28 =	sshll.u32 s26, $0x7  }
0x65: {  	s28 =	sadd.s32 s10, s28  }
0x66: {  	s28 =	sshrl.u32 s28, $0x3  }
0x67: {  	s29 =	sadd.s32 s8, s28  }
0x68: {  	[tilespmem:s18], [sflag:$0x3] =	stream.linear.gather [hbm4b:s29+s25], $0x80, $0x38;
	[tilespmem:$0x1BD40] =	vst v63  }
0x69: {  	_ =	swait.ge [sflag:s17], $0x80  }
0x6a: {  	[sflag:s17] =	ssyncset.done $0x0  }
0x6b: {  	s28 =	sadd.s32 s9, s28;
	[sflag:s17] =	ssyncadd.s32 $0xFFFFFF80  }
0x6c: {  	[tilespmem:s19], [sflag:$0x3] =	stream.linear.gather [hbm4b:s28+s25], $0x80, $0x38;
	[tilespmem:$0x1BD40] =	vst v63  }
0x6d: {  	_ =	swait.ge [sflag:s17], $0x80  }
0x6e: {  	[sflag:s17] =	ssyncset.done $0x0  }
0x6f: {  	[sflag:s17] =	ssyncadd.s32 $0xFFFFFF80  }
0x70: {  	[tilespmem:s21], [sflag:$0x1] =	stream.indirect.gather [hbm4b:s6+s20], $0x80, s18, s20, $0xb8;
	[tilespmem:$0x1BD40] =	vst v63  }
0x71: {  	_ = 	snop  }
0x72: {  	[tilespmem:s22], [sflag:$0x2] =	stream.indirect.gather [hbm4b:s2+s20], $0x80, s19, s20, $0xb8;
	[tilespmem:$0x1BD40] =	vst v63  }
0x73: {  	_ =	swait.ge [sflag:s23], $0x4000  }
0x74: {  	[sflag:s23] =	ssyncset.done $0x0  }
0x75: {  	[sflag:s23] =	ssyncadd.s32 $0xFFFFC000  }
0x76: {  	_ =	swait.ge [sflag:s24], $0x4000  }
0x77: {  	[sflag:s24] =	ssyncset.done $0x0  }
0x78: {  	s28 =	simm.s32 $0x0;
	[sflag:s24] =	ssyncadd.s32 $0xFFFFC000  }
0x79: {  	v6 =	vld [tilespmem:s28+$0x17D40]  }
0x7a: {  	v11 =	vld [tilespmem:s28+$0x17D50]  }
0x7b: {  	v5 =	vld [tilespmem:s28+$0x17D60]  }
0x7c: {  	v4 =	vld [tilespmem:s28+$0x17D70]  }
0x7d: {  	v3 =	vld [tilespmem:s28+$0x17D80]  }
0x7e: {  	v2 =	vld [tilespmem:s28+$0x17D90]  }
0x7f: {  	v1 =	vld [tilespmem:s28+$0x17DA0]  }
0x80: {  	v0 =	vld [tilespmem:s28+$0x17DB0]  }
0x81: {  	v12 =	vld [tilespmem:s28+$0x13D40]  }
0x82: {  	v13 =	vld [tilespmem:s28+$0x13D50]  }
0x83: {  	v10 =	vld [tilespmem:s28+$0x13D60]  }
0x84: {  	v9 =	vld [tilespmem:s28+$0x13D70]  }
0x85: {  	v8 =	vld [tilespmem:s28+$0x13D80]  }
0x86: {  	v7 =	vld [tilespmem:s28+$0x13D90];
	v12 =	vsub.f32 v12, v6  }
0x87: {  	s29 =	simm.s32 $0x200;
	v11 =	vsub.f32 v13, v11;
	v6 =	vld [tilespmem:s28+$0x13DA0]  }
.LBB2_7:
0x88: {  	s30 =	sshra.s32 s29, $0x2;
	p0 =	sne.s32 s29, $0xFE00;
	v12 =	vmax.f32 v12, $0.0e+00;
	v5 =	vsub.f32 v10, v5;
	v10 =	vld [tilespmem:s28+$0x13DB0]  }
0x89: {  	v13 =	vld [tilespmem:s30+$0x17D40];
	[tilespmem:s28+$0x13D40] =	vst v12;
	v11 =	vmax.f32 v11, $0.0e+00;
	v4 =	vsub.f32 v9, v4  }
0x8a: {  	v14 =	vld [tilespmem:s30+$0x17D50];
	[tilespmem:s28+$0x13D50] =	vst v11;
	v9 =	vmax.f32 v5, $0.0e+00;
	v3 =	vsub.f32 v8, v3  }
0x8b: {  	v5 =	vld [tilespmem:s30+$0x17D60];
	[tilespmem:s28+$0x13D60] =	vst v9;
	v8 =	vmax.f32 v4, $0.0e+00;
	v2 =	vsub.f32 v7, v2  }
0x8c: {  	v4 =	vld [tilespmem:s30+$0x17D70];
	[tilespmem:s28+$0x13D70] =	vst v8;
	v7 =	vmax.f32 v3, $0.0e+00;
	v1 =	vsub.f32 v6, v1  }
0x8d: {  	v3 =	vld [tilespmem:s30+$0x17D80];
	[tilespmem:s28+$0x13D80] =	vst v7;
	v6 =	vmax.f32 v2, $0.0e+00;
	v0 =	vsub.f32 v10, v0  }
0x8e: {  	v2 =	vld [tilespmem:s30+$0x17D90];
	[tilespmem:s28+$0x13D90] =	vst v6;
	v6 =	vmax.f32 v1, $0.0e+00  }
0x8f: {  	v1 =	vld [tilespmem:s30+$0x17DA0];
	[tilespmem:s28+$0x13DA0] =	vst v6;
	v6 =	vmax.f32 v0, $0.0e+00  }
0x90: {  	v0 =	vld [tilespmem:s30+$0x17DB0];
	[tilespmem:s28+$0x13DB0] =	vst v6;
	s28 =	smov.u32 s30  }
0x91: {  	v6 =	vld [tilespmem:s28+$0x13D40]  }
0x92: {  	v11 =	vld [tilespmem:s28+$0x13D50]  }
.Ltmp2:
0x93: {  	v10 =	vld [tilespmem:s28+$0x13D60];
	(pc) =	sbr.rel @p0 .LBB2_7-.Ltmp2, $4  }
0x94: {  	v9 =	vld [tilespmem:s28+$0x13D70]  }
0x95: {  	v8 =	vld [tilespmem:s28+$0x13D80]  }
0x96: {  	v12 =	vsub.f32 v6, v13;
	v7 =	vld [tilespmem:s28+$0x13D90]  }
0x97: {  	s29 =	sadd.s32 $0x200, s29;
	v11 =	vsub.f32 v11, v14;
	v6 =	vld [tilespmem:s28+$0x13DA0]  }
0x98: {  	v12 =	vmax.f32 v12, $0.0e+00;
	v5 =	vsub.f32 v10, v5;
	v63 =	vld [tilespmem:s28+$0x13DB0]  }
0x99: {  	[tilespmem:s28+$0x13D40] =	vst v12;
	v11 =	vmax.f32 v11, $0.0e+00;
	v4 =	vsub.f32 v9, v4  }
0x9a: {  	[tilespmem:s28+$0x13D50] =	vst v11;
	v5 =	vmax.f32 v5, $0.0e+00;
	v3 =	vsub.f32 v8, v3  }
0x9b: {  	[tilespmem:s28+$0x13D60] =	vst v5;
	v4 =	vmax.f32 v4, $0.0e+00;
	v2 =	vsub.f32 v7, v2  }
0x9c: {  	[tilespmem:s28+$0x13D70] =	vst v4;
	v3 =	vmax.f32 v3, $0.0e+00;
	v1 =	vsub.f32 v6, v1  }
0x9d: {  	[tilespmem:s28+$0x13D80] =	vst v3;
	v2 =	vmax.f32 v2, $0.0e+00;
	v0 =	vsub.f32 v63, v0  }
0x9e: {  	s26 =	sadd.s32 $0x1, s26;
	[tilespmem:s28+$0x13D90] =	vst v2;
	v1 =	vmax.f32 v1, $0.0e+00  }
0x9f: {  	p0 =	sne.s32 s26, $0x4F;
	[tilespmem:s28+$0x13DA0] =	vst v1;
	v0 =	vmax.f32 v0, $0.0e+00  }
.Ltmp3:
0xa0: {  	[tilespmem:s28+$0x13DB0] =	vst v0;
	(pc) =	sbr.rel @p0 .LBB2_6-.Ltmp3, $4  }
0xa1: {  	[spmem:s3] =	stream.indirect.scatter.add.f32 [tilespmem:s21], [sflag:$0x3], $0x80, s19, s20, $0xb8;
	[tilespmem:$0x1BD40] =	vst v63  }
0xa2: {  	_ =	swait.ge [sflag:s17], $0x4000  }
0xa3: {  	[sflag:s17] =	ssyncset.done $0x0  }
0xa4: {  	[sflag:s17] =	ssyncadd.s32 $0xFFFFC000  }
0xa5: {  	[bflag:$0x0] =	sbarrier.arrive $0xFFFF;
	s4 =	sadd.s32 $0x1, s4  }
0xa6: {  	[hbm:s14], [sflag:s12] =	dma.local [spmem:s16], $0x2780  }
0xa7: {  	p0 =	sne.s32 s4, s15  }
.Ltmp4:
0xa8: {  	_ =	swait.ge [sflag:s17], $0x2780;
	(pc) =	sbr.rel @p0 .LBB2_1-.Ltmp4, $3  }
0xa9: {  	[sflag:s17] =	ssyncset.done $0x0  }
0xaa: {  	[sflag:s17] =	ssyncadd.s32 $0xFFFFD880  }
0xab: {  	[bflag:$0x0] =	sbarrier.arrive $0xFFFF;
	_ =	sdelay $0x1  }
0xac: {  	_ =	sfence.sel $0x180000  }
0xad: {  	[bflag:$0x0] =	sbarrier.arrive $0xFFFF  }
0xae: {  	p0 =	sne.s32 s1, $0x0;
	_ =	strace $0x90000047  }
0xaf: {  	s0 =	sadd.s32 @!p0 $0x100000, s0;
	[bflag:$0x2] =	sbarrier.arrive $0xFFFF  }
0xb0: {  	[sflag:s0] =	ssyncadd.tile.s32 @!p0 $0x1;
	_ =	shalt  }
.Lfunc_end2:
_tile_overlayer_lowered:
.L_overlay_start_2:
0xb1: {  	(tag) =	ssettag $0x2  }
0xb2: {  	s0 =	rddreg [dreg:$0x0];
	s2 =	stileid.u32  }
0xb3: {  	s1 =	rddreg [dreg:$0x1];
	p0 =	sne.s32 s2, $0x0  }
0xb4: {  	s3 =	rddreg [dreg:$0x2];
	[bflag:$0x3] =	sbarrier.arrive $0xFFFF;
	s2 =	simm.s32 @!p0 $0x1C03  }
0xb5: {  	[timem:s3], [sflag:s2] =	dma.local @!p0 [hbm:s0], s1  }
0xb6: {  	s0 =	simm.s32 @!p0 $0x3  }
0xb7: {  	_ =	swait.ge @!p0 [sflag:s0], s1  }
0xb8: {  	s1 =	ssub.s32 @!p0 $0x0, s1;
	[sflag:s0] =	ssyncset.done @!p0 $0x0  }
0xb9: {  	[sflag:s0] =	ssyncadd.s32 @!p0 s1  }
0xba: {  	[bflag:$0x3] =	sbarrier.arrive $0xFFFF  }
0xbb: {  	_ =	shalt  }

</sc_bundles>
